<compile_context>
chip_gen: v7x
topology: tpu7x:2x2x1
jax: 0.10.2.dev20260603
libtpu: 0.0.44.dev20260713+nightly
codegen_flags: <defaults>
</compile_context>

<pallas_src>
import functools
import jax
import jax.numpy as jnp
from jax import lax
from jax.experimental import pallas as pl
from jax.experimental.pallas import tpu as pltpu
from jax.experimental.pallas import tpu_sc as plsc

MAXV = 52000.0
MINV = -53000.0
LEV = 1000
NGRAM = 4
D = 4096
C = 23
CP = 24
T = 64
B = 16
PAIRS = B * T
NW = 32
PPW = PAIRS // NW
NH = 2
DH = D // NH
LANES = 16

_mesh = plsc.VectorSubcoreMesh(core_axis_name="c", subcore_axis_name="s")


@functools.partial(
    pl.kernel,
    mesh=_mesh,
    out_type=jax.ShapeDtypeStruct((PAIRS * D,), jnp.float32),
    scratch_types=[
        pltpu.VMEM((CP,), jnp.int32),
        pltpu.VMEM((CP, DH), jnp.float32),
        pltpu.VMEM((C * DH,), jnp.float32),
        pltpu.VMEM((DH,), jnp.float32),
        pltpu.SemaphoreType.DMA,
    ],
)
def _sc_samples(idx_hbm, table2_hbm, ch_hbm, out_hbm,
                idx_v, rows_v, ch_v, acc_v, sem):
    wid = lax.axis_index("s") * 2 + lax.axis_index("c")
    base = wid * PPW
    for h in range(NH):
        pltpu.sync_copy(ch_hbm.at[pl.ds(h * C * DH, C * DH)], ch_v)

        def pair_body(p, _):
            pltpu.sync_copy(
                idx_hbm.at[pl.ds((h * PAIRS + base + p) * CP, CP)], idx_v)
            pltpu.async_copy(table2_hbm.at[idx_v], rows_v, sem).wait()

            def chunk_body(j, _):
                sl = pl.ds(j * LANES, LANES)
                acc = rows_v[0, sl] * ch_v[pl.ds(j * LANES, LANES)]
                for c in range(1, C):
                    acc = acc + rows_v[c, sl] * ch_v[pl.ds(c * DH + j * LANES, LANES)]
                acc_v[sl] = acc
                return 0

            lax.fori_loop(0, DH // LANES, chunk_body, 0)
            pltpu.sync_copy(
                acc_v, out_hbm.at[pl.ds((base + p) * D + h * DH, DH)])
            return 0

        lax.fori_loop(0, PPW, pair_body, 0)


def _ngram_body(s_ref, out_ref):
    samples = s_ref[0]

    def roll1(a):
        return jnp.concatenate([a[:, -1:], a[:, :-1]], axis=1)

    r0 = samples
    r1 = roll1(r0)
    r2 = roll1(r1)
    r3 = roll1(r2)
    w = T - (NGRAM - 1)
    ng = (r3[0:w] * r2[1:w + 1] * r1[2:w + 2] * r0[3:w + 3])
    s = jnp.sum(ng, axis=0, keepdims=True)
    out_ref[...] = jnp.where(s > 0.0, 1.0, -1.0).astype(jnp.float32)[None]


def kernel(input, signals_weight, channels_weight):
    idxf = jnp.round((input - MINV) / (MAXV - MINV) * (LEV - 1))
    idx = jnp.clip(idxf, 0.0, float(LEV - 1)).astype(jnp.int32)
    idx = idx.reshape(PAIRS, C)
    idxp = jnp.pad(idx, ((0, 0), (0, CP - C)), mode="edge")
    idx2 = jnp.concatenate(
        [idxp * NH, idxp * NH + 1], axis=0).reshape(-1)
    table2 = signals_weight.reshape(LEV * NH, DH)
    ch2 = channels_weight.reshape(C, NH, DH).transpose(1, 0, 2).reshape(-1)

    samples = _sc_samples(idx2, table2, ch2)

    out = pl.pallas_call(
        _ngram_body,
        grid=(B,),
        in_specs=[pl.BlockSpec((1, T, D), lambda i: (i, 0, 0))],
        out_specs=pl.BlockSpec((1, 1, D), lambda i: (i, 0, 0)),
        out_shape=jax.ShapeDtypeStruct((B, 1, D), jnp.float32),
    )(samples.reshape(B, T, D))
    return out.reshape(B, D)

# --- scband reference (transcript-rebuilt; emitter-appended) ---
"""Pipeline reference for scband-chx-val-encoder-88802743812297 (READ-ONLY COPY).

The authoritative reference and input builder live on the scoring server;
editing this copy changes nothing except your own understanding.
"""

import jax, jax.numpy as jnp
import numpy as np

MAX_VAL = 52000.0
MIN_VAL = -53000.0
NUM_LEVELS = 1000
N_GRAM_SIZE = 4
OUT_FEATURES = 4096
CHANNELS = 23
TIMESTAMPS = 64
BATCH = 16


def _random_hv(key, num, d):
    # torchhd embeddings.Random: quasi-orthogonal bipolar (+1/-1) hypervectors
    return jnp.where(jax.random.uniform(key, (num, d)) > 0.5, 1.0, -1.0).astype(jnp.float32)


def _level_hv(key, num, d):
    # torchhd embeddings.Level: levels span from a base hv by flipping a
    # linearly increasing number of coordinates (first vs last ~ quasi-orthogonal)
    k1, k2 = jax.random.split(key)
    base = jnp.where(jax.random.uniform(k1, (d,)) > 0.5, 1.0, -1.0).astype(jnp.float32)
    perm = jax.random.permutation(k2, d)
    rank = jnp.argsort(perm)  # rank[j] = order in which coordinate j gets flipped
    n_flip = jnp.round(jnp.arange(num) * (d / 2.0) / (num - 1)).astype(jnp.int32)
    flip = rank[None, :] < n_flip[:, None]
    return jnp.where(flip, -base[None, :], base[None, :])


def setup_inputs(seed: int = 0) -> dict:
    key = jax.random.key(seed)
    k_in, k_sig, k_ch = jax.random.split(key, 3)
    # raw signal values span the Level embedding's [low, high] range
    inp = jax.random.uniform(k_in, (BATCH, TIMESTAMPS, CHANNELS), dtype=jnp.float32,
                             minval=MIN_VAL, maxval=MAX_VAL)
    signals_weight = _level_hv(k_sig, NUM_LEVELS, OUT_FEATURES)   # [1000, 4096]
    channels_weight = _random_hv(k_ch, CHANNELS, OUT_FEATURES)    # [23, 4096]
    return {"input": inp, "signals_weight": signals_weight, "channels_weight": channels_weight}


def reference(input, signals_weight, channels_weight):
    # Level embedding lookup: value_to_index + gather
    idx = jnp.round((input - MIN_VAL) / (MAX_VAL - MIN_VAL) * (NUM_LEVELS - 1))
    idx = jnp.clip(idx, 0, NUM_LEVELS - 1).astype(jnp.int32)
    signal = jnp.take(signals_weight, idx, axis=0)            # [B, T, C, D]
    # bind with per-channel keys (MAP bind = elementwise multiply)
    samples = signal * channels_weight[None, None, :, :]      # [B, T, C, D]
    # multiset (bundle) over channels
    samples = jnp.sum(samples, axis=-2)                       # [B, T, D]
    # torchhd.ngrams(samples, n=4): bind n consecutive permuted hvs, bundle over time
    n = N_GRAM_SIZE
    T = samples.shape[-2]
    n_gram = jnp.roll(samples[..., : T - (n - 1), :], n - 1, axis=-1)
    for i in range(1, n):
        stop = T if i == n - 1 else T - (n - 1 - i)
        sample = jnp.roll(samples[..., i:stop, :], n - 1 - i, axis=-1)
        n_gram = n_gram * sample
    sample_hv = jnp.sum(n_gram, axis=-2)                      # [B, D]
    # hard_quantize
    return jnp.where(sample_hv > 0, 1.0, -1.0).astype(jnp.float32)

if __name__ == "__main__":
    import jax
    _d = setup_inputs()
    print(jax.jit(kernel)(*tuple(_d.values())))

</pallas_src>

<mosaic_0001>
#map = affine_map<(d0, d1) -> (0)>
#map1 = affine_map<(d0, d1) -> (0, 0)>
module attributes {stable_mosaic.version = 14 : i64} {
  func.func @_sc_samples(%arg0: i32, %arg1: i32, %arg2: memref<49152xi32, #tpu.memory_space<hbm>>, %arg3: memref<2000x2048xf32, #tpu.memory_space<hbm>>, %arg4: memref<94208xf32, #tpu.memory_space<hbm>>, %arg5: memref<4194304xf32, #tpu.memory_space<hbm>>, %arg6: memref<24xi32, #tpu.memory_space<vmem>>, %arg7: memref<24x2048xf32, #tpu.memory_space<vmem>>, %arg8: memref<47104xf32, #tpu.memory_space<vmem>>, %arg9: memref<2048xf32, #tpu.memory_space<vmem>>, %arg10: memref<!tpu.dma_semaphore, #tpu.memory_space<semaphore_mem>>) attributes {dimension_semantics = [#tpu.dimension_semantics<core_parallel>, #tpu.dimension_semantics<subcore_parallel>], iteration_bounds = array<i64: 2, 16>, scalar_prefetch = 0 : i64, scratch_operands = 5 : i64, tpu.core_type = #tpu.core_type<sc_vector_subcore>, window_params = [{transform_indices = #map}, {transform_indices = #map1}, {transform_indices = #map}, {transform_indices = #map}]} {
    %mul3A = arith.constant 2 : i32
    %mul3A_0 = arith.muli %arg1, %mul3A : i32
    %add3A = arith.addi %mul3A_0, %arg0 : i32
    %mul3A_1 = arith.constant 32 : i32
    %mul3A_2 = arith.muli %add3A, %mul3A_1 : i32
    "tpu.region"() ({
      %run_scoped3A = tpu.sem_alloc : memref<!tpu.dma_semaphore, #tpu.memory_space<semaphore_mem>>
      %dma_start3A = arith.constant 0 : i32
      %dma_start3A_16 = tpu.memref_slice %arg4[%dma_start3A] : memref<94208xf32, #tpu.memory_space<hbm>> -> memref<47104xf32, #tpu.memory_space<hbm>>
      %dma_start3A_17 = arith.constant 0 : i32
      %dma_start3A_18 = tpu.memref_slice %arg4[%dma_start3A_17] : memref<94208xf32, #tpu.memory_space<hbm>> -> memref<47104xf32, #tpu.memory_space<hbm>>
      tpu.enqueue_dma source(%dma_start3A_18 : memref<47104xf32, #tpu.memory_space<hbm>>) target(%arg8 : memref<47104xf32, #tpu.memory_space<vmem>>) target_semaphore(%run_scoped3A : memref<!tpu.dma_semaphore, #tpu.memory_space<semaphore_mem>>)
      %dma_wait3A = arith.constant 0 : i32
      %dma_wait3A_19 = tpu.memref_slice %arg4[%dma_wait3A] : memref<94208xf32, #tpu.memory_space<hbm>> -> memref<47104xf32, #tpu.memory_space<hbm>>
      %dma_wait3A_20 = arith.constant 0 : i32
      %dma_wait3A_21 = tpu.memref_slice %arg4[%dma_wait3A_20] : memref<94208xf32, #tpu.memory_space<hbm>> -> memref<47104xf32, #tpu.memory_space<hbm>>
      tpu.wait_dma2 semaphore(%run_scoped3A : memref<!tpu.dma_semaphore, #tpu.memory_space<semaphore_mem>>) src(%dma_wait3A_21 : memref<47104xf32, #tpu.memory_space<hbm>>) dst(%arg8 : memref<47104xf32, #tpu.memory_space<vmem>>)
      tpu.yield
    }) : () -> ()
    %scan3A = arith.constant 0 : i32
    %scan3A_3 = arith.constant 0 : i32
    %scan3A_4 = arith.constant 32 : i32
    %scan3A_5 = arith.addi %scan3A_3, %scan3A_4 : i32
    %scan3A_6 = arith.constant 1 : i32
    %scan3A_7 = scf.for %scan3A_16 = %scan3A_3 to %scan3A_5 step %scan3A_6 iter_args(%scan3A_17 = %scan3A) -> (i32)  : i32 {
      %add3A_18 = arith.constant 0 : i32
      %add3A_19 = arith.addi %add3A_18, %mul3A_2 : i32
      %add3A_20 = arith.addi %add3A_19, %scan3A_16 : i32
      %mul3A_21 = arith.constant 24 : i32
      %mul3A_22 = arith.muli %add3A_20, %mul3A_21 : i32
      "tpu.region"() ({
        %run_scoped3A = tpu.sem_alloc : memref<!tpu.dma_semaphore, #tpu.memory_space<semaphore_mem>>
        %dma_start3A_40 = tpu.memref_slice %arg2[%mul3A_22] : memref<49152xi32, #tpu.memory_space<hbm>> -> memref<24xi32, #tpu.memory_space<hbm>>
        %dma_start3A_41 = tpu.memref_slice %arg2[%mul3A_22] : memref<49152xi32, #tpu.memory_space<hbm>> -> memref<24xi32, #tpu.memory_space<hbm>>
        tpu.enqueue_dma source(%dma_start3A_41 : memref<24xi32, #tpu.memory_space<hbm>>) target(%arg6 : memref<24xi32, #tpu.memory_space<vmem>>) target_semaphore(%run_scoped3A : memref<!tpu.dma_semaphore, #tpu.memory_space<semaphore_mem>>)
        %dma_wait3A_42 = tpu.memref_slice %arg2[%mul3A_22] : memref<49152xi32, #tpu.memory_space<hbm>> -> memref<24xi32, #tpu.memory_space<hbm>>
        %dma_wait3A_43 = tpu.memref_slice %arg2[%mul3A_22] : memref<49152xi32, #tpu.memory_space<hbm>> -> memref<24xi32, #tpu.memory_space<hbm>>
        tpu.wait_dma2 semaphore(%run_scoped3A : memref<!tpu.dma_semaphore, #tpu.memory_space<semaphore_mem>>) src(%dma_wait3A_43 : memref<24xi32, #tpu.memory_space<hbm>>) dst(%arg6 : memref<24xi32, #tpu.memory_space<vmem>>)
        tpu.yield
      }) : () -> ()
      %dma_start3A = arith.constant 0 : i32
      %dma_start3A_23 = arith.constant 0 : i32
      %dma_start3A_24 = tpu.memref_slice %arg3[%dma_start3A, %dma_start3A_23] : memref<2000x2048xf32, #tpu.memory_space<hbm>> -> memref<2000x2048xf32, #tpu.memory_space<hbm>>
      tpu.enqueue_indirect_dma source(%dma_start3A_24 : memref<2000x2048xf32, #tpu.memory_space<hbm>>) target(%arg7 : memref<24x2048xf32, #tpu.memory_space<vmem>>) offsets(%arg6 : memref<24xi32, #tpu.memory_space<vmem>>) semaphore(%arg10 : memref<!tpu.dma_semaphore, #tpu.memory_space<semaphore_mem>>)
      %dma_wait3A = arith.constant 0 : i32
      %dma_wait3A_25 = arith.constant 0 : i32
      %dma_wait3A_26 = tpu.memref_slice %arg3[%dma_wait3A, %dma_wait3A_25] : memref<2000x2048xf32, #tpu.memory_space<hbm>> -> memref<2000x2048xf32, #tpu.memory_space<hbm>>
      tpu.wait_indirect_dma semaphore(%arg10 : memref<!tpu.dma_semaphore, #tpu.memory_space<semaphore_mem>>) src(%dma_wait3A_26 : memref<2000x2048xf32, #tpu.memory_space<hbm>>) dst(%arg7 : memref<24x2048xf32, #tpu.memory_space<vmem>>)
      %scan3A_27 = arith.constant 0 : i32
      %scan3A_28 = arith.constant 0 : i32
      %scan3A_29 = arith.constant 128 : i32
      %scan3A_30 = arith.addi %scan3A_28, %scan3A_29 : i32
      %scan3A_31 = arith.constant 1 : i32
      %scan3A_32 = scf.for %scan3A_40 = %scan3A_28 to %scan3A_30 step %scan3A_31 iter_args(%scan3A_41 = %scan3A_27) -> (i32)  : i32 {
        %mul3A_42 = arith.constant 16 : i32
        %mul3A_43 = arith.muli %scan3A_40, %mul3A_42 : i32
        %get3A = arith.constant 0 : i32
        %get3A_44 = arith.index_cast %get3A : i32 to index
        %get3A_45 = arith.index_cast %mul3A_43 : i32 to index
        %get3A_46 = tpu.vector_load %arg7[%get3A_44, %get3A_45] {strides = array<i32>} : memref<24x2048xf32, #tpu.memory_space<vmem>>, vector<1x16xf32>,
        %get3A_47 = vector.shape_cast %get3A_46 : vector<1x16xf32> to vector<16xf32>
        %mul3A_48 = arith.constant 16 : i32
        %mul3A_49 = arith.muli %scan3A_40, %mul3A_48 : i32
        %get3A_50 = arith.index_cast %mul3A_49 : i32 to index
        %get3A_51 = tpu.vector_load %arg8[%get3A_50] {strides = array<i32>} : memref<47104xf32, #tpu.memory_space<vmem>>, vector<16xf32>,
        %get3A_52 = vector.shape_cast %get3A_51 : vector<16xf32> to vector<16xf32>
        %mul3A_53 = arith.mulf %get3A_47, %get3A_52 : vector<16xf32>
        %get3A_54 = arith.constant 1 : i32
        %get3A_55 = arith.index_cast %get3A_54 : i32 to index
        %get3A_56 = arith.index_cast %mul3A_43 : i32 to index
        %get3A_57 = tpu.vector_load %arg7[%get3A_55, %get3A_56] {strides = array<i32>} : memref<24x2048xf32, #tpu.memory_space<vmem>>, vector<1x16xf32>,
        %get3A_58 = vector.shape_cast %get3A_57 : vector<1x16xf32> to vector<16xf32>
        %mul3A_59 = arith.constant 16 : i32
        %mul3A_60 = arith.muli %scan3A_40, %mul3A_59 : i32
        %add3A_61 = arith.constant 2048 : i32
        %add3A_62 = arith.addi %add3A_61, %mul3A_60 : i32
        %get3A_63 = arith.index_cast %add3A_62 : i32 to index
        %get3A_64 = tpu.vector_load %arg8[%get3A_63] {strides = array<i32>} : memref<47104xf32, #tpu.memory_space<vmem>>, vector<16xf32>,
        %get3A_65 = vector.shape_cast %get3A_64 : vector<16xf32> to vector<16xf32>
        %mul3A_66 = arith.mulf %get3A_58, %get3A_65 : vector<16xf32>
        %add3A_67 = arith.addf %mul3A_53, %mul3A_66 : vector<16xf32>
        %get3A_68 = arith.constant 2 : i32
        %get3A_69 = arith.index_cast %get3A_68 : i32 to index
        %get3A_70 = arith.index_cast %mul3A_43 : i32 to index
        %get3A_71 = tpu.vector_load %arg7[%get3A_69, %get3A_70] {strides = array<i32>} : memref<24x2048xf32, #tpu.memory_space<vmem>>, vector<1x16xf32>,
        %get3A_72 = vector.shape_cast %get3A_71 : vector<1x16xf32> to vector<16xf32>
        %mul3A_73 = arith.constant 16 : i32
        %mul3A_74 = arith.muli %scan3A_40, %mul3A_73 : i32
        %add3A_75 = arith.constant 4096 : i32
        %add3A_76 = arith.addi %add3A_75, %mul3A_74 : i32
        %get3A_77 = arith.index_cast %add3A_76 : i32 to index
        %get3A_78 = tpu.vector_load %arg8[%get3A_77] {strides = array<i32>} : memref<47104xf32, #tpu.memory_space<vmem>>, vector<16xf32>,
        %get3A_79 = vector.shape_cast %get3A_78 : vector<16xf32> to vector<16xf32>
        %mul3A_80 = arith.mulf %get3A_72, %get3A_79 : vector<16xf32>
        %add3A_81 = arith.addf %add3A_67, %mul3A_80 : vector<16xf32>
        %get3A_82 = arith.constant 3 : i32
        %get3A_83 = arith.index_cast %get3A_82 : i32 to index
        %get3A_84 = arith.index_cast %mul3A_43 : i32 to index
        %get3A_85 = tpu.vector_load %arg7[%get3A_83, %get3A_84] {strides = array<i32>} : memref<24x2048xf32, #tpu.memory_space<vmem>>, vector<1x16xf32>,
        %get3A_86 = vector.shape_cast %get3A_85 : vector<1x16xf32> to vector<16xf32>
        %mul3A_87 = arith.constant 16 : i32
        %mul3A_88 = arith.muli %scan3A_40, %mul3A_87 : i32
        %add3A_89 = arith.constant 6144 : i32
        %add3A_90 = arith.addi %add3A_89, %mul3A_88 : i32
        %get3A_91 = arith.index_cast %add3A_90 : i32 to index
        %get3A_92 = tpu.vector_load %arg8[%get3A_91] {strides = array<i32>} : memref<47104xf32, #tpu.memory_space<vmem>>, vector<16xf32>,
        %get3A_93 = vector.shape_cast %get3A_92 : vector<16xf32> to vector<16xf32>
        %mul3A_94 = arith.mulf %get3A_86, %get3A_93 : vector<16xf32>
        %add3A_95 = arith.addf %add3A_81, %mul3A_94 : vector<16xf32>
        %get3A_96 = arith.constant 4 : i32
        %get3A_97 = arith.index_cast %get3A_96 : i32 to index
        %get3A_98 = arith.index_cast %mul3A_43 : i32 to index
        %get3A_99 = tpu.vector_load %arg7[%get3A_97, %get3A_98] {strides = array<i32>} : memref<24x2048xf32, #tpu.memory_space<vmem>>, vector<1x16xf32>,
        %get3A_100 = vector.shape_cast %get3A_99 : vector<1x16xf32> to vector<16xf32>
        %mul3A_101 = arith.constant 16 : i32
        %mul3A_102 = arith.muli %scan3A_40, %mul3A_101 : i32
        %add3A_103 = arith.constant 8192 : i32
        %add3A_104 = arith.addi %add3A_103, %mul3A_102 : i32
        %get3A_105 = arith.index_cast %add3A_104 : i32 to index
        %get3A_106 = tpu.vector_load %arg8[%get3A_105] {strides = array<i32>} : memref<47104xf32, #tpu.memory_space<vmem>>, vector<16xf32>,
        %get3A_107 = vector.shape_cast %get3A_106 : vector<16xf32> to vector<16xf32>
        %mul3A_108 = arith.mulf %get3A_100, %get3A_107 : vector<16xf32>
        %add3A_109 = arith.addf %add3A_95, %mul3A_108 : vector<16xf32>
        %get3A_110 = arith.constant 5 : i32
        %get3A_111 = arith.index_cast %get3A_110 : i32 to index
        %get3A_112 = arith.index_cast %mul3A_43 : i32 to index
        %get3A_113 = tpu.vector_load %arg7[%get3A_111, %get3A_112] {strides = array<i32>} : memref<24x2048xf32, #tpu.memory_space<vmem>>, vector<1x16xf32>,
        %get3A_114 = vector.shape_cast %get3A_113 : vector<1x16xf32> to vector<16xf32>
        %mul3A_115 = arith.constant 16 : i32
        %mul3A_116 = arith.muli %scan3A_40, %mul3A_115 : i32
        %add3A_117 = arith.constant 10240 : i32
        %add3A_118 = arith.addi %add3A_117, %mul3A_116 : i32
        %get3A_119 = arith.index_cast %add3A_118 : i32 to index
        %get3A_120 = tpu.vector_load %arg8[%get3A_119] {strides = array<i32>} : memref<47104xf32, #tpu.memory_space<vmem>>, vector<16xf32>,
        %get3A_121 = vector.shape_cast %get3A_120 : vector<16xf32> to vector<16xf32>
        %mul3A_122 = arith.mulf %get3A_114, %get3A_121 : vector<16xf32>
        %add3A_123 = arith.addf %add3A_109, %mul3A_122 : vector<16xf32>
        %get3A_124 = arith.constant 6 : i32
        %get3A_125 = arith.index_cast %get3A_124 : i32 to index
        %get3A_126 = arith.index_cast %mul3A_43 : i32 to index
        %get3A_127 = tpu.vector_load %arg7[%get3A_125, %get3A_126] {strides = array<i32>} : memref<24x2048xf32, #tpu.memory_space<vmem>>, vector<1x16xf32>,
        %get3A_128 = vector.shape_cast %get3A_127 : vector<1x16xf32> to vector<16xf32>
        %mul3A_129 = arith.constant 16 : i32
        %mul3A_130 = arith.muli %scan3A_40, %mul3A_129 : i32
        %add3A_131 = arith.constant 12288 : i32
        %add3A_132 = arith.addi %add3A_131, %mul3A_130 : i32
        %get3A_133 = arith.index_cast %add3A_132 : i32 to index
        %get3A_134 = tpu.vector_load %arg8[%get3A_133] {strides = array<i32>} : memref<47104xf32, #tpu.memory_space<vmem>>, vector<16xf32>,
        %get3A_135 = vector.shape_cast %get3A_134 : vector<16xf32> to vector<16xf32>
        %mul3A_136 = arith.mulf %get3A_128, %get3A_135 : vector<16xf32>
        %add3A_137 = arith.addf %add3A_123, %mul3A_136 : vector<16xf32>
        %get3A_138 = arith.constant 7 : i32
        %get3A_139 = arith.index_cast %get3A_138 : i32 to index
        %get3A_140 = arith.index_cast %mul3A_43 : i32 to index
        %get3A_141 = tpu.vector_load %arg7[%get3A_139, %get3A_140] {strides = array<i32>} : memref<24x2048xf32, #tpu.memory_space<vmem>>, vector<1x16xf32>,
        %get3A_142 = vector.shape_cast %get3A_141 : vector<1x16xf32> to vector<16xf32>
        %mul3A_143 = arith.constant 16 : i32
        %mul3A_144 = arith.muli %scan3A_40, %mul3A_143 : i32
        %add3A_145 = arith.constant 14336 : i32
        %add3A_146 = arith.addi %add3A_145, %mul3A_144 : i32
        %get3A_147 = arith.index_cast %add3A_146 : i32 to index
        %get3A_148 = tpu.vector_load %arg8[%get3A_147] {strides = array<i32>} : memref<47104xf32, #tpu.memory_space<vmem>>, vector<16xf32>,
        %get3A_149 = vector.shape_cast %get3A_148 : vector<16xf32> to vector<16xf32>
        %mul3A_150 = arith.mulf %get3A_142, %get3A_149 : vector<16xf32>
        %add3A_151 = arith.addf %add3A_137, %mul3A_150 : vector<16xf32>
        %get3A_152 = arith.constant 8 : i32
        %get3A_153 = arith.index_cast %get3A_152 : i32 to index
        %get3A_154 = arith.index_cast %mul3A_43 : i32 to index
        %get3A_155 = tpu.vector_load %arg7[%get3A_153, %get3A_154] {strides = array<i32>} : memref<24x2048xf32, #tpu.memory_space<vmem>>, vector<1x16xf32>,
        %get3A_156 = vector.shape_cast %get3A_155 : vector<1x16xf32> to vector<16xf32>
        %mul3A_157 = arith.constant 16 : i32
        %mul3A_158 = arith.muli %scan3A_40, %mul3A_157 : i32
        %add3A_159 = arith.constant 16384 : i32
        %add3A_160 = arith.addi %add3A_159, %mul3A_158 : i32
        %get3A_161 = arith.index_cast %add3A_160 : i32 to index
        %get3A_162 = tpu.vector_load %arg8[%get3A_161] {strides = array<i32>} : memref<47104xf32, #tpu.memory_space<vmem>>, vector<16xf32>,
        %get3A_163 = vector.shape_cast %get3A_162 : vector<16xf32> to vector<16xf32>
        %mul3A_164 = arith.mulf %get3A_156, %get3A_163 : vector<16xf32>
        %add3A_165 = arith.addf %add3A_151, %mul3A_164 : vector<16xf32>
        %get3A_166 = arith.constant 9 : i32
        %get3A_167 = arith.index_cast %get3A_166 : i32 to index
        %get3A_168 = arith.index_cast %mul3A_43 : i32 to index
        %get3A_169 = tpu.vector_load %arg7[%get3A_167, %get3A_168] {strides = array<i32>} : memref<24x2048xf32, #tpu.memory_space<vmem>>, vector<1x16xf32>,
        %get3A_170 = vector.shape_cast %get3A_169 : vector<1x16xf32> to vector<16xf32>
        %mul3A_171 = arith.constant 16 : i32
        %mul3A_172 = arith.muli %scan3A_40, %mul3A_171 : i32
        %add3A_173 = arith.constant 18432 : i32
        %add3A_174 = arith.addi %add3A_173, %mul3A_172 : i32
        %get3A_175 = arith.index_cast %add3A_174 : i32 to index
        %get3A_176 = tpu.vector_load %arg8[%get3A_175] {strides = array<i32>} : memref<47104xf32, #tpu.memory_space<vmem>>, vector<16xf32>,
        %get3A_177 = vector.shape_cast %get3A_176 : vector<16xf32> to vector<16xf32>
        %mul3A_178 = arith.mulf %get3A_170, %get3A_177 : vector<16xf32>
        %add3A_179 = arith.addf %add3A_165, %mul3A_178 : vector<16xf32>
        %get3A_180 = arith.constant 10 : i32
        %get3A_181 = arith.index_cast %get3A_180 : i32 to index
        %get3A_182 = arith.index_cast %mul3A_43 : i32 to index
        %get3A_183 = tpu.vector_load %arg7[%get3A_181, %get3A_182] {strides = array<i32>} : memref<24x2048xf32, #tpu.memory_space<vmem>>, vector<1x16xf32>,
        %get3A_184 = vector.shape_cast %get3A_183 : vector<1x16xf32> to vector<16xf32>
        %mul3A_185 = arith.constant 16 : i32
        %mul3A_186 = arith.muli %scan3A_40, %mul3A_185 : i32
        %add3A_187 = arith.constant 20480 : i32
        %add3A_188 = arith.addi %add3A_187, %mul3A_186 : i32
        %get3A_189 = arith.index_cast %add3A_188 : i32 to index
        %get3A_190 = tpu.vector_load %arg8[%get3A_189] {strides = array<i32>} : memref<47104xf32, #tpu.memory_space<vmem>>, vector<16xf32>,
        %get3A_191 = vector.shape_cast %get3A_190 : vector<16xf32> to vector<16xf32>
        %mul3A_192 = arith.mulf %get3A_184, %get3A_191 : vector<16xf32>
        %add3A_193 = arith.addf %add3A_179, %mul3A_192 : vector<16xf32>
        %get3A_194 = arith.constant 11 : i32
        %get3A_195 = arith.index_cast %get3A_194 : i32 to index
        %get3A_196 = arith.index_cast %mul3A_43 : i32 to index
        %get3A_197 = tpu.vector_load %arg7[%get3A_195, %get3A_196] {strides = array<i32>} : memref<24x2048xf32, #tpu.memory_space<vmem>>, vector<1x16xf32>,
        %get3A_198 = vector.shape_cast %get3A_197 : vector<1x16xf32> to vector<16xf32>
        %mul3A_199 = arith.constant 16 : i32
        %mul3A_200 = arith.muli %scan3A_40, %mul3A_199 : i32
        %add3A_201 = arith.constant 22528 : i32
        %add3A_202 = arith.addi %add3A_201, %mul3A_200 : i32
        %get3A_203 = arith.index_cast %add3A_202 : i32 to index
        %get3A_204 = tpu.vector_load %arg8[%get3A_203] {strides = array<i32>} : memref<47104xf32, #tpu.memory_space<vmem>>, vector<16xf32>,
        %get3A_205 = vector.shape_cast %get3A_204 : vector<16xf32> to vector<16xf32>
        %mul3A_206 = arith.mulf %get3A_198, %get3A_205 : vector<16xf32>
        %add3A_207 = arith.addf %add3A_193, %mul3A_206 : vector<16xf32>
        %get3A_208 = arith.constant 12 : i32
        %get3A_209 = arith.index_cast %get3A_208 : i32 to index
        %get3A_210 = arith.index_cast %mul3A_43 : i32 to index
        %get3A_211 = tpu.vector_load %arg7[%get3A_209, %get3A_210] {strides = array<i32>} : memref<24x2048xf32, #tpu.memory_space<vmem>>, vector<1x16xf32>,
        %get3A_212 = vector.shape_cast %get3A_211 : vector<1x16xf32> to vector<16xf32>
        %mul3A_213 = arith.constant 16 : i32
        %mul3A_214 = arith.muli %scan3A_40, %mul3A_213 : i32
        %add3A_215 = arith.constant 24576 : i32
        %add3A_216 = arith.addi %add3A_215, %mul3A_214 : i32
        %get3A_217 = arith.index_cast %add3A_216 : i32 to index
        %get3A_218 = tpu.vector_load %arg8[%get3A_217] {strides = array<i32>} : memref<47104xf32, #tpu.memory_space<vmem>>, vector<16xf32>,
        %get3A_219 = vector.shape_cast %get3A_218 : vector<16xf32> to vector<16xf32>
        %mul3A_220 = arith.mulf %get3A_212, %get3A_219 : vector<16xf32>
        %add3A_221 = arith.addf %add3A_207, %mul3A_220 : vector<16xf32>
        %get3A_222 = arith.constant 13 : i32
        %get3A_223 = arith.index_cast %get3A_222 : i32 to index
        %get3A_224 = arith.index_cast %mul3A_43 : i32 to index
        %get3A_225 = tpu.vector_load %arg7[%get3A_223, %get3A_224] {strides = array<i32>} : memref<24x2048xf32, #tpu.memory_space<vmem>>, vector<1x16xf32>,
        %get3A_226 = vector.shape_cast %get3A_225 : vector<1x16xf32> to vector<16xf32>
        %mul3A_227 = arith.constant 16 : i32
        %mul3A_228 = arith.muli %scan3A_40, %mul3A_227 : i32
        %add3A_229 = arith.constant 26624 : i32
        %add3A_230 = arith.addi %add3A_229, %mul3A_228 : i32
        %get3A_231 = arith.index_cast %add3A_230 : i32 to index
        %get3A_232 = tpu.vector_load %arg8[%get3A_231] {strides = array<i32>} : memref<47104xf32, #tpu.memory_space<vmem>>, vector<16xf32>,
        %get3A_233 = vector.shape_cast %get3A_232 : vector<16xf32> to vector<16xf32>
        %mul3A_234 = arith.mulf %get3A_226, %get3A_233 : vector<16xf32>
        %add3A_235 = arith.addf %add3A_221, %mul3A_234 : vector<16xf32>
        %get3A_236 = arith.constant 14 : i32
        %get3A_237 = arith.index_cast %get3A_236 : i32 to index
        %get3A_238 = arith.index_cast %mul3A_43 : i32 to index
        %get3A_239 = tpu.vector_load %arg7[%get3A_237, %get3A_238] {strides = array<i32>} : memref<24x2048xf32, #tpu.memory_space<vmem>>, vector<1x16xf32>,
        %get3A_240 = vector.shape_cast %get3A_239 : vector<1x16xf32> to vector<16xf32>
        %mul3A_241 = arith.constant 16 : i32
        %mul3A_242 = arith.muli %scan3A_40, %mul3A_241 : i32
        %add3A_243 = arith.constant 28672 : i32
        %add3A_244 = arith.addi %add3A_243, %mul3A_242 : i32
        %get3A_245 = arith.index_cast %add3A_244 : i32 to index
        %get3A_246 = tpu.vector_load %arg8[%get3A_245] {strides = array<i32>} : memref<47104xf32, #tpu.memory_space<vmem>>, vector<16xf32>,
        %get3A_247 = vector.shape_cast %get3A_246 : vector<16xf32> to vector<16xf32>
        %mul3A_248 = arith.mulf %get3A_240, %get3A_247 : vector<16xf32>
        %add3A_249 = arith.addf %add3A_235, %mul3A_248 : vector<16xf32>
        %get3A_250 = arith.constant 15 : i32
        %get3A_251 = arith.index_cast %get3A_250 : i32 to index
        %get3A_252 = arith.index_cast %mul3A_43 : i32 to index
        %get3A_253 = tpu.vector_load %arg7[%get3A_251, %get3A_252] {strides = array<i32>} : memref<24x2048xf32, #tpu.memory_space<vmem>>, vector<1x16xf32>,
        %get3A_254 = vector.shape_cast %get3A_253 : vector<1x16xf32> to vector<16xf32>
        %mul3A_255 = arith.constant 16 : i32
        %mul3A_256 = arith.muli %scan3A_40, %mul3A_255 : i32
        %add3A_257 = arith.constant 30720 : i32
        %add3A_258 = arith.addi %add3A_257, %mul3A_256 : i32
        %get3A_259 = arith.index_cast %add3A_258 : i32 to index
        %get3A_260 = tpu.vector_load %arg8[%get3A_259] {strides = array<i32>} : memref<47104xf32, #tpu.memory_space<vmem>>, vector<16xf32>,
        %get3A_261 = vector.shape_cast %get3A_260 : vector<16xf32> to vector<16xf32>
        %mul3A_262 = arith.mulf %get3A_254, %get3A_261 : vector<16xf32>
        %add3A_263 = arith.addf %add3A_249, %mul3A_262 : vector<16xf32>
        %get3A_264 = arith.constant 16 : i32
        %get3A_265 = arith.index_cast %get3A_264 : i32 to index
        %get3A_266 = arith.index_cast %mul3A_43 : i32 to index
        %get3A_267 = tpu.vector_load %arg7[%get3A_265, %get3A_266] {strides = array<i32>} : memref<24x2048xf32, #tpu.memory_space<vmem>>, vector<1x16xf32>,
        %get3A_268 = vector.shape_cast %get3A_267 : vector<1x16xf32> to vector<16xf32>
        %mul3A_269 = arith.constant 16 : i32
        %mul3A_270 = arith.muli %scan3A_40, %mul3A_269 : i32
        %add3A_271 = arith.constant 32768 : i32
        %add3A_272 = arith.addi %add3A_271, %mul3A_270 : i32
        %get3A_273 = arith.index_cast %add3A_272 : i32 to index
        %get3A_274 = tpu.vector_load %arg8[%get3A_273] {strides = array<i32>} : memref<47104xf32, #tpu.memory_space<vmem>>, vector<16xf32>,
        %get3A_275 = vector.shape_cast %get3A_274 : vector<16xf32> to vector<16xf32>
        %mul3A_276 = arith.mulf %get3A_268, %get3A_275 : vector<16xf32>
        %add3A_277 = arith.addf %add3A_263, %mul3A_276 : vector<16xf32>
        %get3A_278 = arith.constant 17 : i32
        %get3A_279 = arith.index_cast %get3A_278 : i32 to index
        %get3A_280 = arith.index_cast %mul3A_43 : i32 to index
        %get3A_281 = tpu.vector_load %arg7[%get3A_279, %get3A_280] {strides = array<i32>} : memref<24x2048xf32, #tpu.memory_space<vmem>>, vector<1x16xf32>,
        %get3A_282 = vector.shape_cast %get3A_281 : vector<1x16xf32> to vector<16xf32>
        %mul3A_283 = arith.constant 16 : i32
        %mul3A_284 = arith.muli %scan3A_40, %mul3A_283 : i32
        %add3A_285 = arith.constant 34816 : i32
        %add3A_286 = arith.addi %add3A_285, %mul3A_284 : i32
        %get3A_287 = arith.index_cast %add3A_286 : i32 to index
        %get3A_288 = tpu.vector_load %arg8[%get3A_287] {strides = array<i32>} : memref<47104xf32, #tpu.memory_space<vmem>>, vector<16xf32>,
        %get3A_289 = vector.shape_cast %get3A_288 : vector<16xf32> to vector<16xf32>
        %mul3A_290 = arith.mulf %get3A_282, %get3A_289 : vector<16xf32>
        %add3A_291 = arith.addf %add3A_277, %mul3A_290 : vector<16xf32>
        %get3A_292 = arith.constant 18 : i32
        %get3A_293 = arith.index_cast %get3A_292 : i32 to index
        %get3A_294 = arith.index_cast %mul3A_43 : i32 to index
        %get3A_295 = tpu.vector_load %arg7[%get3A_293, %get3A_294] {strides = array<i32>} : memref<24x2048xf32, #tpu.memory_space<vmem>>, vector<1x16xf32>,
        %get3A_296 = vector.shape_cast %get3A_295 : vector<1x16xf32> to vector<16xf32>
        %mul3A_297 = arith.constant 16 : i32
        %mul3A_298 = arith.muli %scan3A_40, %mul3A_297 : i32
        %add3A_299 = arith.constant 36864 : i32
        %add3A_300 = arith.addi %add3A_299, %mul3A_298 : i32
        %get3A_301 = arith.index_cast %add3A_300 : i32 to index
        %get3A_302 = tpu.vector_load %arg8[%get3A_301] {strides = array<i32>} : memref<47104xf32, #tpu.memory_space<vmem>>, vector<16xf32>,
        %get3A_303 = vector.shape_cast %get3A_302 : vector<16xf32> to vector<16xf32>
        %mul3A_304 = arith.mulf %get3A_296, %get3A_303 : vector<16xf32>
        %add3A_305 = arith.addf %add3A_291, %mul3A_304 : vector<16xf32>
        %get3A_306 = arith.constant 19 : i32
        %get3A_307 = arith.index_cast %get3A_306 : i32 to index
        %get3A_308 = arith.index_cast %mul3A_43 : i32 to index
        %get3A_309 = tpu.vector_load %arg7[%get3A_307, %get3A_308] {strides = array<i32>} : memref<24x2048xf32, #tpu.memory_space<vmem>>, vector<1x16xf32>,
        %get3A_310 = vector.shape_cast %get3A_309 : vector<1x16xf32> to vector<16xf32>
        %mul3A_311 = arith.constant 16 : i32
        %mul3A_312 = arith.muli %scan3A_40, %mul3A_311 : i32
        %add3A_313 = arith.constant 38912 : i32
        %add3A_314 = arith.addi %add3A_313, %mul3A_312 : i32
        %get3A_315 = arith.index_cast %add3A_314 : i32 to index
        %get3A_316 = tpu.vector_load %arg8[%get3A_315] {strides = array<i32>} : memref<47104xf32, #tpu.memory_space<vmem>>, vector<16xf32>,
        %get3A_317 = vector.shape_cast %get3A_316 : vector<16xf32> to vector<16xf32>
        %mul3A_318 = arith.mulf %get3A_310, %get3A_317 : vector<16xf32>
        %add3A_319 = arith.addf %add3A_305, %mul3A_318 : vector<16xf32>
        %get3A_320 = arith.constant 20 : i32
        %get3A_321 = arith.index_cast %get3A_320 : i32 to index
        %get3A_322 = arith.index_cast %mul3A_43 : i32 to index
        %get3A_323 = tpu.vector_load %arg7[%get3A_321, %get3A_322] {strides = array<i32>} : memref<24x2048xf32, #tpu.memory_space<vmem>>, vector<1x16xf32>,
        %get3A_324 = vector.shape_cast %get3A_323 : vector<1x16xf32> to vector<16xf32>
        %mul3A_325 = arith.constant 16 : i32
        %mul3A_326 = arith.muli %scan3A_40, %mul3A_325 : i32
        %add3A_327 = arith.constant 40960 : i32
        %add3A_328 = arith.addi %add3A_327, %mul3A_326 : i32
        %get3A_329 = arith.index_cast %add3A_328 : i32 to index
        %get3A_330 = tpu.vector_load %arg8[%get3A_329] {strides = array<i32>} : memref<47104xf32, #tpu.memory_space<vmem>>, vector<16xf32>,
        %get3A_331 = vector.shape_cast %get3A_330 : vector<16xf32> to vector<16xf32>
        %mul3A_332 = arith.mulf %get3A_324, %get3A_331 : vector<16xf32>
        %add3A_333 = arith.addf %add3A_319, %mul3A_332 : vector<16xf32>
        %get3A_334 = arith.constant 21 : i32
        %get3A_335 = arith.index_cast %get3A_334 : i32 to index
        %get3A_336 = arith.index_cast %mul3A_43 : i32 to index
        %get3A_337 = tpu.vector_load %arg7[%get3A_335, %get3A_336] {strides = array<i32>} : memref<24x2048xf32, #tpu.memory_space<vmem>>, vector<1x16xf32>,
        %get3A_338 = vector.shape_cast %get3A_337 : vector<1x16xf32> to vector<16xf32>
        %mul3A_339 = arith.constant 16 : i32
        %mul3A_340 = arith.muli %scan3A_40, %mul3A_339 : i32
        %add3A_341 = arith.constant 43008 : i32
        %add3A_342 = arith.addi %add3A_341, %mul3A_340 : i32
        %get3A_343 = arith.index_cast %add3A_342 : i32 to index
        %get3A_344 = tpu.vector_load %arg8[%get3A_343] {strides = array<i32>} : memref<47104xf32, #tpu.memory_space<vmem>>, vector<16xf32>,
        %get3A_345 = vector.shape_cast %get3A_344 : vector<16xf32> to vector<16xf32>
        %mul3A_346 = arith.mulf %get3A_338, %get3A_345 : vector<16xf32>
        %add3A_347 = arith.addf %add3A_333, %mul3A_346 : vector<16xf32>
        %get3A_348 = arith.constant 22 : i32
        %get3A_349 = arith.index_cast %get3A_348 : i32 to index
        %get3A_350 = arith.index_cast %mul3A_43 : i32 to index
        %get3A_351 = tpu.vector_load %arg7[%get3A_349, %get3A_350] {strides = array<i32>} : memref<24x2048xf32, #tpu.memory_space<vmem>>, vector<1x16xf32>,
        %get3A_352 = vector.shape_cast %get3A_351 : vector<1x16xf32> to vector<16xf32>
        %mul3A_353 = arith.constant 16 : i32
        %mul3A_354 = arith.muli %scan3A_40, %mul3A_353 : i32
        %add3A_355 = arith.constant 45056 : i32
        %add3A_356 = arith.addi %add3A_355, %mul3A_354 : i32
        %get3A_357 = arith.index_cast %add3A_356 : i32 to index
        %get3A_358 = tpu.vector_load %arg8[%get3A_357] {strides = array<i32>} : memref<47104xf32, #tpu.memory_space<vmem>>, vector<16xf32>,
        %get3A_359 = vector.shape_cast %get3A_358 : vector<16xf32> to vector<16xf32>
        %mul3A_360 = arith.mulf %get3A_352, %get3A_359 : vector<16xf32>
        %add3A_361 = arith.addf %add3A_347, %mul3A_360 : vector<16xf32>
        %swap3A = arith.index_cast %mul3A_43 : i32 to index
        %swap3A_362 = tpu.vector_load %arg9[%swap3A] {strides = array<i32>} : memref<2048xf32, #tpu.memory_space<vmem>>, vector<16xf32>,
        %swap3A_363 = vector.shape_cast %swap3A_362 : vector<16xf32> to vector<16xf32>
        %swap3A_364 = vector.shape_cast %add3A_361 : vector<16xf32> to vector<16xf32>
        tpu.vector_store %arg9[%swap3A], %swap3A_364 {strides = array<i32>} : memref<2048xf32, #tpu.memory_space<vmem>>, vector<16xf32>,
        %scan3A_365 = arith.constant 0 : i32
        scf.yield %scan3A_365 : i32
      }
      %scan3A_33 = arith.constant 128 : i32
      %add3A_34 = arith.addi %mul3A_2, %scan3A_16 : i32
      %mul3A_35 = arith.constant 4096 : i32
      %mul3A_36 = arith.muli %add3A_34, %mul3A_35 : i32
      %add3A_37 = arith.constant 0 : i32
      %add3A_38 = arith.addi %mul3A_36, %add3A_37 : i32
      "tpu.region"() ({
        %run_scoped3A = tpu.sem_alloc : memref<!tpu.dma_semaphore, #tpu.memory_space<semaphore_mem>>
        %dma_start3A_40 = tpu.memref_slice %arg5[%add3A_38] : memref<4194304xf32, #tpu.memory_space<hbm>> -> memref<2048xf32, #tpu.memory_space<hbm>>
        %dma_start3A_41 = tpu.memref_slice %arg5[%add3A_38] : memref<4194304xf32, #tpu.memory_space<hbm>> -> memref<2048xf32, #tpu.memory_space<hbm>>
        tpu.enqueue_dma source(%arg9 : memref<2048xf32, #tpu.memory_space<vmem>>) target(%dma_start3A_41 : memref<2048xf32, #tpu.memory_space<hbm>>) target_semaphore(%run_scoped3A : memref<!tpu.dma_semaphore, #tpu.memory_space<semaphore_mem>>)
        %dma_wait3A_42 = tpu.memref_slice %arg5[%add3A_38] : memref<4194304xf32, #tpu.memory_space<hbm>> -> memref<2048xf32, #tpu.memory_space<hbm>>
        %dma_wait3A_43 = tpu.memref_slice %arg5[%add3A_38] : memref<4194304xf32, #tpu.memory_space<hbm>> -> memref<2048xf32, #tpu.memory_space<hbm>>
        tpu.wait_dma2 semaphore(%run_scoped3A : memref<!tpu.dma_semaphore, #tpu.memory_space<semaphore_mem>>) src(%arg9 : memref<2048xf32, #tpu.memory_space<vmem>>) dst(%dma_wait3A_43 : memref<2048xf32, #tpu.memory_space<hbm>>)
        tpu.yield
      }) : () -> ()
      %scan3A_39 = arith.constant 0 : i32
      scf.yield %scan3A_39 : i32
    }
    %scan3A_8 = arith.constant 32 : i32
    "tpu.region"() ({
      %run_scoped3A = tpu.sem_alloc : memref<!tpu.dma_semaphore, #tpu.memory_space<semaphore_mem>>
      %dma_start3A = arith.constant 47104 : i32
      %dma_start3A_16 = tpu.memref_slice %arg4[%dma_start3A] : memref<94208xf32, #tpu.memory_space<hbm>> -> memref<47104xf32, #tpu.memory_space<hbm>>
      %dma_start3A_17 = arith.constant 47104 : i32
      %dma_start3A_18 = tpu.memref_slice %arg4[%dma_start3A_17] : memref<94208xf32, #tpu.memory_space<hbm>> -> memref<47104xf32, #tpu.memory_space<hbm>>
      tpu.enqueue_dma source(%dma_start3A_18 : memref<47104xf32, #tpu.memory_space<hbm>>) target(%arg8 : memref<47104xf32, #tpu.memory_space<vmem>>) target_semaphore(%run_scoped3A : memref<!tpu.dma_semaphore, #tpu.memory_space<semaphore_mem>>)
      %dma_wait3A = arith.constant 47104 : i32
      %dma_wait3A_19 = tpu.memref_slice %arg4[%dma_wait3A] : memref<94208xf32, #tpu.memory_space<hbm>> -> memref<47104xf32, #tpu.memory_space<hbm>>
      %dma_wait3A_20 = arith.constant 47104 : i32
      %dma_wait3A_21 = tpu.memref_slice %arg4[%dma_wait3A_20] : memref<94208xf32, #tpu.memory_space<hbm>> -> memref<47104xf32, #tpu.memory_space<hbm>>
      tpu.wait_dma2 semaphore(%run_scoped3A : memref<!tpu.dma_semaphore, #tpu.memory_space<semaphore_mem>>) src(%dma_wait3A_21 : memref<47104xf32, #tpu.memory_space<hbm>>) dst(%arg8 : memref<47104xf32, #tpu.memory_space<vmem>>)
      tpu.yield
    }) : () -> ()
    %scan3A_9 = arith.constant 0 : i32
    %scan3A_10 = arith.constant 0 : i32
    %scan3A_11 = arith.constant 32 : i32
    %scan3A_12 = arith.addi %scan3A_10, %scan3A_11 : i32
    %scan3A_13 = arith.constant 1 : i32
    %scan3A_14 = scf.for %scan3A_16 = %scan3A_10 to %scan3A_12 step %scan3A_13 iter_args(%scan3A_17 = %scan3A_9) -> (i32)  : i32 {
      %add3A_18 = arith.constant 1024 : i32
      %add3A_19 = arith.addi %add3A_18, %mul3A_2 : i32
      %add3A_20 = arith.addi %add3A_19, %scan3A_16 : i32
      %mul3A_21 = arith.constant 24 : i32
      %mul3A_22 = arith.muli %add3A_20, %mul3A_21 : i32
      "tpu.region"() ({
        %run_scoped3A = tpu.sem_alloc : memref<!tpu.dma_semaphore, #tpu.memory_space<semaphore_mem>>
        %dma_start3A_40 = tpu.memref_slice %arg2[%mul3A_22] : memref<49152xi32, #tpu.memory_space<hbm>> -> memref<24xi32, #tpu.memory_space<hbm>>
        %dma_start3A_41 = tpu.memref_slice %arg2[%mul3A_22] : memref<49152xi32, #tpu.memory_space<hbm>> -> memref<24xi32, #tpu.memory_space<hbm>>
        tpu.enqueue_dma source(%dma_start3A_41 : memref<24xi32, #tpu.memory_space<hbm>>) target(%arg6 : memref<24xi32, #tpu.memory_space<vmem>>) target_semaphore(%run_scoped3A : memref<!tpu.dma_semaphore, #tpu.memory_space<semaphore_mem>>)
        %dma_wait3A_42 = tpu.memref_slice %arg2[%mul3A_22] : memref<49152xi32, #tpu.memory_space<hbm>> -> memref<24xi32, #tpu.memory_space<hbm>>
        %dma_wait3A_43 = tpu.memref_slice %arg2[%mul3A_22] : memref<49152xi32, #tpu.memory_space<hbm>> -> memref<24xi32, #tpu.memory_space<hbm>>
        tpu.wait_dma2 semaphore(%run_scoped3A : memref<!tpu.dma_semaphore, #tpu.memory_space<semaphore_mem>>) src(%dma_wait3A_43 : memref<24xi32, #tpu.memory_space<hbm>>) dst(%arg6 : memref<24xi32, #tpu.memory_space<vmem>>)
        tpu.yield
      }) : () -> ()
      %dma_start3A = arith.constant 0 : i32
      %dma_start3A_23 = arith.constant 0 : i32
      %dma_start3A_24 = tpu.memref_slice %arg3[%dma_start3A, %dma_start3A_23] : memref<2000x2048xf32, #tpu.memory_space<hbm>> -> memref<2000x2048xf32, #tpu.memory_space<hbm>>
      tpu.enqueue_indirect_dma source(%dma_start3A_24 : memref<2000x2048xf32, #tpu.memory_space<hbm>>) target(%arg7 : memref<24x2048xf32, #tpu.memory_space<vmem>>) offsets(%arg6 : memref<24xi32, #tpu.memory_space<vmem>>) semaphore(%arg10 : memref<!tpu.dma_semaphore, #tpu.memory_space<semaphore_mem>>)
      %dma_wait3A = arith.constant 0 : i32
      %dma_wait3A_25 = arith.constant 0 : i32
      %dma_wait3A_26 = tpu.memref_slice %arg3[%dma_wait3A, %dma_wait3A_25] : memref<2000x2048xf32, #tpu.memory_space<hbm>> -> memref<2000x2048xf32, #tpu.memory_space<hbm>>
      tpu.wait_indirect_dma semaphore(%arg10 : memref<!tpu.dma_semaphore, #tpu.memory_space<semaphore_mem>>) src(%dma_wait3A_26 : memref<2000x2048xf32, #tpu.memory_space<hbm>>) dst(%arg7 : memref<24x2048xf32, #tpu.memory_space<vmem>>)
      %scan3A_27 = arith.constant 0 : i32
      %scan3A_28 = arith.constant 0 : i32
      %scan3A_29 = arith.constant 128 : i32
      %scan3A_30 = arith.addi %scan3A_28, %scan3A_29 : i32
      %scan3A_31 = arith.constant 1 : i32
      %scan3A_32 = scf.for %scan3A_40 = %scan3A_28 to %scan3A_30 step %scan3A_31 iter_args(%scan3A_41 = %scan3A_27) -> (i32)  : i32 {
        %mul3A_42 = arith.constant 16 : i32
        %mul3A_43 = arith.muli %scan3A_40, %mul3A_42 : i32
        %get3A = arith.constant 0 : i32
        %get3A_44 = arith.index_cast %get3A : i32 to index
        %get3A_45 = arith.index_cast %mul3A_43 : i32 to index
        %get3A_46 = tpu.vector_load %arg7[%get3A_44, %get3A_45] {strides = array<i32>} : memref<24x2048xf32, #tpu.memory_space<vmem>>, vector<1x16xf32>,
        %get3A_47 = vector.shape_cast %get3A_46 : vector<1x16xf32> to vector<16xf32>
        %mul3A_48 = arith.constant 16 : i32
        %mul3A_49 = arith.muli %scan3A_40, %mul3A_48 : i32
        %get3A_50 = arith.index_cast %mul3A_49 : i32 to index
        %get3A_51 = tpu.vector_load %arg8[%get3A_50] {strides = array<i32>} : memref<47104xf32, #tpu.memory_space<vmem>>, vector<16xf32>,
        %get3A_52 = vector.shape_cast %get3A_51 : vector<16xf32> to vector<16xf32>
        %mul3A_53 = arith.mulf %get3A_47, %get3A_52 : vector<16xf32>
        %get3A_54 = arith.constant 1 : i32
        %get3A_55 = arith.index_cast %get3A_54 : i32 to index
        %get3A_56 = arith.index_cast %mul3A_43 : i32 to index
        %get3A_57 = tpu.vector_load %arg7[%get3A_55, %get3A_56] {strides = array<i32>} : memref<24x2048xf32, #tpu.memory_space<vmem>>, vector<1x16xf32>,
        %get3A_58 = vector.shape_cast %get3A_57 : vector<1x16xf32> to vector<16xf32>
        %mul3A_59 = arith.constant 16 : i32
        %mul3A_60 = arith.muli %scan3A_40, %mul3A_59 : i32
        %add3A_61 = arith.constant 2048 : i32
        %add3A_62 = arith.addi %add3A_61, %mul3A_60 : i32
        %get3A_63 = arith.index_cast %add3A_62 : i32 to index
        %get3A_64 = tpu.vector_load %arg8[%get3A_63] {strides = array<i32>} : memref<47104xf32, #tpu.memory_space<vmem>>, vector<16xf32>,
        %get3A_65 = vector.shape_cast %get3A_64 : vector<16xf32> to vector<16xf32>
        %mul3A_66 = arith.mulf %get3A_58, %get3A_65 : vector<16xf32>
        %add3A_67 = arith.addf %mul3A_53, %mul3A_66 : vector<16xf32>
        %get3A_68 = arith.constant 2 : i32
        %get3A_69 = arith.index_cast %get3A_68 : i32 to index
        %get3A_70 = arith.index_cast %mul3A_43 : i32 to index
        %get3A_71 = tpu.vector_load %arg7[%get3A_69, %get3A_70] {strides = array<i32>} : memref<24x2048xf32, #tpu.memory_space<vmem>>, vector<1x16xf32>,
        %get3A_72 = vector.shape_cast %get3A_71 : vector<1x16xf32> to vector<16xf32>
        %mul3A_73 = arith.constant 16 : i32
        %mul3A_74 = arith.muli %scan3A_40, %mul3A_73 : i32
        %add3A_75 = arith.constant 4096 : i32
        %add3A_76 = arith.addi %add3A_75, %mul3A_74 : i32
        %get3A_77 = arith.index_cast %add3A_76 : i32 to index
        %get3A_78 = tpu.vector_load %arg8[%get3A_77] {strides = array<i32>} : memref<47104xf32, #tpu.memory_space<vmem>>, vector<16xf32>,
        %get3A_79 = vector.shape_cast %get3A_78 : vector<16xf32> to vector<16xf32>
        %mul3A_80 = arith.mulf %get3A_72, %get3A_79 : vector<16xf32>
        %add3A_81 = arith.addf %add3A_67, %mul3A_80 : vector<16xf32>
        %get3A_82 = arith.constant 3 : i32
        %get3A_83 = arith.index_cast %get3A_82 : i32 to index
        %get3A_84 = arith.index_cast %mul3A_43 : i32 to index
        %get3A_85 = tpu.vector_load %arg7[%get3A_83, %get3A_84] {strides = array<i32>} : memref<24x2048xf32, #tpu.memory_space<vmem>>, vector<1x16xf32>,
        %get3A_86 = vector.shape_cast %get3A_85 : vector<1x16xf32> to vector<16xf32>
        %mul3A_87 = arith.constant 16 : i32
        %mul3A_88 = arith.muli %scan3A_40, %mul3A_87 : i32
        %add3A_89 = arith.constant 6144 : i32
        %add3A_90 = arith.addi %add3A_89, %mul3A_88 : i32
        %get3A_91 = arith.index_cast %add3A_90 : i32 to index
        %get3A_92 = tpu.vector_load %arg8[%get3A_91] {strides = array<i32>} : memref<47104xf32, #tpu.memory_space<vmem>>, vector<16xf32>,
        %get3A_93 = vector.shape_cast %get3A_92 : vector<16xf32> to vector<16xf32>
        %mul3A_94 = arith.mulf %get3A_86, %get3A_93 : vector<16xf32>
        %add3A_95 = arith.addf %add3A_81, %mul3A_94 : vector<16xf32>
        %get3A_96 = arith.constant 4 : i32
        %get3A_97 = arith.index_cast %get3A_96 : i32 to index
        %get3A_98 = arith.index_cast %mul3A_43 : i32 to index
        %get3A_99 = tpu.vector_load %arg7[%get3A_97, %get3A_98] {strides = array<i32>} : memref<24x2048xf32, #tpu.memory_space<vmem>>, vector<1x16xf32>,
        %get3A_100 = vector.shape_cast %get3A_99 : vector<1x16xf32> to vector<16xf32>
        %mul3A_101 = arith.constant 16 : i32
        %mul3A_102 = arith.muli %scan3A_40, %mul3A_101 : i32
        %add3A_103 = arith.constant 8192 : i32
        %add3A_104 = arith.addi %add3A_103, %mul3A_102 : i32
        %get3A_105 = arith.index_cast %add3A_104 : i32 to index
        %get3A_106 = tpu.vector_load %arg8[%get3A_105] {strides = array<i32>} : memref<47104xf32, #tpu.memory_space<vmem>>, vector<16xf32>,
        %get3A_107 = vector.shape_cast %get3A_106 : vector<16xf32> to vector<16xf32>
        %mul3A_108 = arith.mulf %get3A_100, %get3A_107 : vector<16xf32>
        %add3A_109 = arith.addf %add3A_95, %mul3A_108 : vector<16xf32>
        %get3A_110 = arith.constant 5 : i32
        %get3A_111 = arith.index_cast %get3A_110 : i32 to index
        %get3A_112 = arith.index_cast %mul3A_43 : i32 to index
        %get3A_113 = tpu.vector_load %arg7[%get3A_111, %get3A_112] {strides = array<i32>} : memref<24x2048xf32, #tpu.memory_space<vmem>>, vector<1x16xf32>,
        %get3A_114 = vector.shape_cast %get3A_113 : vector<1x16xf32> to vector<16xf32>
        %mul3A_115 = arith.constant 16 : i32
        %mul3A_116 = arith.muli %scan3A_40, %mul3A_115 : i32
        %add3A_117 = arith.constant 10240 : i32
        %add3A_118 = arith.addi %add3A_117, %mul3A_116 : i32
        %get3A_119 = arith.index_cast %add3A_118 : i32 to index
        %get3A_120 = tpu.vector_load %arg8[%get3A_119] {strides = array<i32>} : memref<47104xf32, #tpu.memory_space<vmem>>, vector<16xf32>,
        %get3A_121 = vector.shape_cast %get3A_120 : vector<16xf32> to vector<16xf32>
        %mul3A_122 = arith.mulf %get3A_114, %get3A_121 : vector<16xf32>
        %add3A_123 = arith.addf %add3A_109, %mul3A_122 : vector<16xf32>
        %get3A_124 = arith.constant 6 : i32
        %get3A_125 = arith.index_cast %get3A_124 : i32 to index
        %get3A_126 = arith.index_cast %mul3A_43 : i32 to index
        %get3A_127 = tpu.vector_load %arg7[%get3A_125, %get3A_126] {strides = array<i32>} : memref<24x2048xf32, #tpu.memory_space<vmem>>, vector<1x16xf32>,
        %get3A_128 = vector.shape_cast %get3A_127 : vector<1x16xf32> to vector<16xf32>
        %mul3A_129 = arith.constant 16 : i32
        %mul3A_130 = arith.muli %scan3A_40, %mul3A_129 : i32
        %add3A_131 = arith.constant 12288 : i32
        %add3A_132 = arith.addi %add3A_131, %mul3A_130 : i32
        %get3A_133 = arith.index_cast %add3A_132 : i32 to index
        %get3A_134 = tpu.vector_load %arg8[%get3A_133] {strides = array<i32>} : memref<47104xf32, #tpu.memory_space<vmem>>, vector<16xf32>,
        %get3A_135 = vector.shape_cast %get3A_134 : vector<16xf32> to vector<16xf32>
        %mul3A_136 = arith.mulf %get3A_128, %get3A_135 : vector<16xf32>
        %add3A_137 = arith.addf %add3A_123, %mul3A_136 : vector<16xf32>
        %get3A_138 = arith.constant 7 : i32
        %get3A_139 = arith.index_cast %get3A_138 : i32 to index
        %get3A_140 = arith.index_cast %mul3A_43 : i32 to index
        %get3A_141 = tpu.vector_load %arg7[%get3A_139, %get3A_140] {strides = array<i32>} : memref<24x2048xf32, #tpu.memory_space<vmem>>, vector<1x16xf32>,
        %get3A_142 = vector.shape_cast %get3A_141 : vector<1x16xf32> to vector<16xf32>
        %mul3A_143 = arith.constant 16 : i32
        %mul3A_144 = arith.muli %scan3A_40, %mul3A_143 : i32
        %add3A_145 = arith.constant 14336 : i32
        %add3A_146 = arith.addi %add3A_145, %mul3A_144 : i32
        %get3A_147 = arith.index_cast %add3A_146 : i32 to index
        %get3A_148 = tpu.vector_load %arg8[%get3A_147] {strides = array<i32>} : memref<47104xf32, #tpu.memory_space<vmem>>, vector<16xf32>,
        %get3A_149 = vector.shape_cast %get3A_148 : vector<16xf32> to vector<16xf32>
        %mul3A_150 = arith.mulf %get3A_142, %get3A_149 : vector<16xf32>
        %add3A_151 = arith.addf %add3A_137, %mul3A_150 : vector<16xf32>
        %get3A_152 = arith.constant 8 : i32
        %get3A_153 = arith.index_cast %get3A_152 : i32 to index
        %get3A_154 = arith.index_cast %mul3A_43 : i32 to index
        %get3A_155 = tpu.vector_load %arg7[%get3A_153, %get3A_154] {strides = array<i32>} : memref<24x2048xf32, #tpu.memory_space<vmem>>, vector<1x16xf32>,
        %get3A_156 = vector.shape_cast %get3A_155 : vector<1x16xf32> to vector<16xf32>
        %mul3A_157 = arith.constant 16 : i32
        %mul3A_158 = arith.muli %scan3A_40, %mul3A_157 : i32
        %add3A_159 = arith.constant 16384 : i32
        %add3A_160 = arith.addi %add3A_159, %mul3A_158 : i32
        %get3A_161 = arith.index_cast %add3A_160 : i32 to index
        %get3A_162 = tpu.vector_load %arg8[%get3A_161] {strides = array<i32>} : memref<47104xf32, #tpu.memory_space<vmem>>, vector<16xf32>,
        %get3A_163 = vector.shape_cast %get3A_162 : vector<16xf32> to vector<16xf32>
        %mul3A_164 = arith.mulf %get3A_156, %get3A_163 : vector<16xf32>
        %add3A_165 = arith.addf %add3A_151, %mul3A_164 : vector<16xf32>
        %get3A_166 = arith.constant 9 : i32
        %get3A_167 = arith.index_cast %get3A_166 : i32 to index
        %get3A_168 = arith.index_cast %mul3A_43 : i32 to index
        %get3A_169 = tpu.vector_load %arg7[%get3A_167, %get3A_168] {strides = array<i32>} : memref<24x2048xf32, #tpu.memory_space<vmem>>, vector<1x16xf32>,
        %get3A_170 = vector.shape_cast %get3A_169 : vector<1x16xf32> to vector<16xf32>
        %mul3A_171 = arith.constant 16 : i32
        %mul3A_172 = arith.muli %scan3A_40, %mul3A_171 : i32
        %add3A_173 = arith.constant 18432 : i32
        %add3A_174 = arith.addi %add3A_173, %mul3A_172 : i32
        %get3A_175 = arith.index_cast %add3A_174 : i32 to index
        %get3A_176 = tpu.vector_load %arg8[%get3A_175] {strides = array<i32>} : memref<47104xf32, #tpu.memory_space<vmem>>, vector<16xf32>,
        %get3A_177 = vector.shape_cast %get3A_176 : vector<16xf32> to vector<16xf32>
        %mul3A_178 = arith.mulf %get3A_170, %get3A_177 : vector<16xf32>
        %add3A_179 = arith.addf %add3A_165, %mul3A_178 : vector<16xf32>
        %get3A_180 = arith.constant 10 : i32
        %get3A_181 = arith.index_cast %get3A_180 : i32 to index
        %get3A_182 = arith.index_cast %mul3A_43 : i32 to index
        %get3A_183 = tpu.vector_load %arg7[%get3A_181, %get3A_182] {strides = array<i32>} : memref<24x2048xf32, #tpu.memory_space<vmem>>, vector<1x16xf32>,
        %get3A_184 = vector.shape_cast %get3A_183 : vector<1x16xf32> to vector<16xf32>
        %mul3A_185 = arith.constant 16 : i32
        %mul3A_186 = arith.muli %scan3A_40, %mul3A_185 : i32
        %add3A_187 = arith.constant 20480 : i32
        %add3A_188 = arith.addi %add3A_187, %mul3A_186 : i32
        %get3A_189 = arith.index_cast %add3A_188 : i32 to index
        %get3A_190 = tpu.vector_load %arg8[%get3A_189] {strides = array<i32>} : memref<47104xf32, #tpu.memory_space<vmem>>, vector<16xf32>,
        %get3A_191 = vector.shape_cast %get3A_190 : vector<16xf32> to vector<16xf32>
        %mul3A_192 = arith.mulf %get3A_184, %get3A_191 : vector<16xf32>
        %add3A_193 = arith.addf %add3A_179, %mul3A_192 : vector<16xf32>
        %get3A_194 = arith.constant 11 : i32
        %get3A_195 = arith.index_cast %get3A_194 : i32 to index
        %get3A_196 = arith.index_cast %mul3A_43 : i32 to index
        %get3A_197 = tpu.vector_load %arg7[%get3A_195, %get3A_196] {strides = array<i32>} : memref<24x2048xf32, #tpu.memory_space<vmem>>, vector<1x16xf32>,
        %get3A_198 = vector.shape_cast %get3A_197 : vector<1x16xf32> to vector<16xf32>
        %mul3A_199 = arith.constant 16 : i32
        %mul3A_200 = arith.muli %scan3A_40, %mul3A_199 : i32
        %add3A_201 = arith.constant 22528 : i32
        %add3A_202 = arith.addi %add3A_201, %mul3A_200 : i32
        %get3A_203 = arith.index_cast %add3A_202 : i32 to index
        %get3A_204 = tpu.vector_load %arg8[%get3A_203] {strides = array<i32>} : memref<47104xf32, #tpu.memory_space<vmem>>, vector<16xf32>,
        %get3A_205 = vector.shape_cast %get3A_204 : vector<16xf32> to vector<16xf32>
        %mul3A_206 = arith.mulf %get3A_198, %get3A_205 : vector<16xf32>
        %add3A_207 = arith.addf %add3A_193, %mul3A_206 : vector<16xf32>
        %get3A_208 = arith.constant 12 : i32
        %get3A_209 = arith.index_cast %get3A_208 : i32 to index
        %get3A_210 = arith.index_cast %mul3A_43 : i32 to index
        %get3A_211 = tpu.vector_load %arg7[%get3A_209, %get3A_210] {strides = array<i32>} : memref<24x2048xf32, #tpu.memory_space<vmem>>, vector<1x16xf32>,
        %get3A_212 = vector.shape_cast %get3A_211 : vector<1x16xf32> to vector<16xf32>
        %mul3A_213 = arith.constant 16 : i32
        %mul3A_214 = arith.muli %scan3A_40, %mul3A_213 : i32
        %add3A_215 = arith.constant 24576 : i32
        %add3A_216 = arith.addi %add3A_215, %mul3A_214 : i32
        %get3A_217 = arith.index_cast %add3A_216 : i32 to index
        %get3A_218 = tpu.vector_load %arg8[%get3A_217] {strides = array<i32>} : memref<47104xf32, #tpu.memory_space<vmem>>, vector<16xf32>,
        %get3A_219 = vector.shape_cast %get3A_218 : vector<16xf32> to vector<16xf32>
        %mul3A_220 = arith.mulf %get3A_212, %get3A_219 : vector<16xf32>
        %add3A_221 = arith.addf %add3A_207, %mul3A_220 : vector<16xf32>
        %get3A_222 = arith.constant 13 : i32
        %get3A_223 = arith.index_cast %get3A_222 : i32 to index
        %get3A_224 = arith.index_cast %mul3A_43 : i32 to index
        %get3A_225 = tpu.vector_load %arg7[%get3A_223, %get3A_224] {strides = array<i32>} : memref<24x2048xf32, #tpu.memory_space<vmem>>, vector<1x16xf32>,
        %get3A_226 = vector.shape_cast %get3A_225 : vector<1x16xf32> to vector<16xf32>
        %mul3A_227 = arith.constant 16 : i32
        %mul3A_228 = arith.muli %scan3A_40, %mul3A_227 : i32
        %add3A_229 = arith.constant 26624 : i32
        %add3A_230 = arith.addi %add3A_229, %mul3A_228 : i32
        %get3A_231 = arith.index_cast %add3A_230 : i32 to index
        %get3A_232 = tpu.vector_load %arg8[%get3A_231] {strides = array<i32>} : memref<47104xf32, #tpu.memory_space<vmem>>, vector<16xf32>,
        %get3A_233 = vector.shape_cast %get3A_232 : vector<16xf32> to vector<16xf32>
        %mul3A_234 = arith.mulf %get3A_226, %get3A_233 : vector<16xf32>
        %add3A_235 = arith.addf %add3A_221, %mul3A_234 : vector<16xf32>
        %get3A_236 = arith.constant 14 : i32
        %get3A_237 = arith.index_cast %get3A_236 : i32 to index
        %get3A_238 = arith.index_cast %mul3A_43 : i32 to index
        %get3A_239 = tpu.vector_load %arg7[%get3A_237, %get3A_238] {strides = array<i32>} : memref<24x2048xf32, #tpu.memory_space<vmem>>, vector<1x16xf32>,
        %get3A_240 = vector.shape_cast %get3A_239 : vector<1x16xf32> to vector<16xf32>
        %mul3A_241 = arith.constant 16 : i32
        %mul3A_242 = arith.muli %scan3A_40, %mul3A_241 : i32
        %add3A_243 = arith.constant 28672 : i32
        %add3A_244 = arith.addi %add3A_243, %mul3A_242 : i32
        %get3A_245 = arith.index_cast %add3A_244 : i32 to index
        %get3A_246 = tpu.vector_load %arg8[%get3A_245] {strides = array<i32>} : memref<47104xf32, #tpu.memory_space<vmem>>, vector<16xf32>,
        %get3A_247 = vector.shape_cast %get3A_246 : vector<16xf32> to vector<16xf32>
        %mul3A_248 = arith.mulf %get3A_240, %get3A_247 : vector<16xf32>
        %add3A_249 = arith.addf %add3A_235, %mul3A_248 : vector<16xf32>
        %get3A_250 = arith.constant 15 : i32
        %get3A_251 = arith.index_cast %get3A_250 : i32 to index
        %get3A_252 = arith.index_cast %mul3A_43 : i32 to index
        %get3A_253 = tpu.vector_load %arg7[%get3A_251, %get3A_252] {strides = array<i32>} : memref<24x2048xf32, #tpu.memory_space<vmem>>, vector<1x16xf32>,
        %get3A_254 = vector.shape_cast %get3A_253 : vector<1x16xf32> to vector<16xf32>
        %mul3A_255 = arith.constant 16 : i32
        %mul3A_256 = arith.muli %scan3A_40, %mul3A_255 : i32
        %add3A_257 = arith.constant 30720 : i32
        %add3A_258 = arith.addi %add3A_257, %mul3A_256 : i32
        %get3A_259 = arith.index_cast %add3A_258 : i32 to index
        %get3A_260 = tpu.vector_load %arg8[%get3A_259] {strides = array<i32>} : memref<47104xf32, #tpu.memory_space<vmem>>, vector<16xf32>,
        %get3A_261 = vector.shape_cast %get3A_260 : vector<16xf32> to vector<16xf32>
        %mul3A_262 = arith.mulf %get3A_254, %get3A_261 : vector<16xf32>
        %add3A_263 = arith.addf %add3A_249, %mul3A_262 : vector<16xf32>
        %get3A_264 = arith.constant 16 : i32
        %get3A_265 = arith.index_cast %get3A_264 : i32 to index
        %get3A_266 = arith.index_cast %mul3A_43 : i32 to index
        %get3A_267 = tpu.vector_load %arg7[%get3A_265, %get3A_266] {strides = array<i32>} : memref<24x2048xf32, #tpu.memory_space<vmem>>, vector<1x16xf32>,
        %get3A_268 = vector.shape_cast %get3A_267 : vector<1x16xf32> to vector<16xf32>
        %mul3A_269 = arith.constant 16 : i32
        %mul3A_270 = arith.muli %scan3A_40, %mul3A_269 : i32
        %add3A_271 = arith.constant 32768 : i32
        %add3A_272 = arith.addi %add3A_271, %mul3A_270 : i32
        %get3A_273 = arith.index_cast %add3A_272 : i32 to index
        %get3A_274 = tpu.vector_load %arg8[%get3A_273] {strides = array<i32>} : memref<47104xf32, #tpu.memory_space<vmem>>, vector<16xf32>,
        %get3A_275 = vector.shape_cast %get3A_274 : vector<16xf32> to vector<16xf32>
        %mul3A_276 = arith.mulf %get3A_268, %get3A_275 : vector<16xf32>
        %add3A_277 = arith.addf %add3A_263, %mul3A_276 : vector<16xf32>
        %get3A_278 = arith.constant 17 : i32
        %get3A_279 = arith.index_cast %get3A_278 : i32 to index
        %get3A_280 = arith.index_cast %mul3A_43 : i32 to index
        %get3A_281 = tpu.vector_load %arg7[%get3A_279, %get3A_280] {strides = array<i32>} : memref<24x2048xf32, #tpu.memory_space<vmem>>, vector<1x16xf32>,
        %get3A_282 = vector.shape_cast %get3A_281 : vector<1x16xf32> to vector<16xf32>
        %mul3A_283 = arith.constant 16 : i32
        %mul3A_284 = arith.muli %scan3A_40, %mul3A_283 : i32
        %add3A_285 = arith.constant 34816 : i32
        %add3A_286 = arith.addi %add3A_285, %mul3A_284 : i32
        %get3A_287 = arith.index_cast %add3A_286 : i32 to index
        %get3A_288 = tpu.vector_load %arg8[%get3A_287] {strides = array<i32>} : memref<47104xf32, #tpu.memory_space<vmem>>, vector<16xf32>,
        %get3A_289 = vector.shape_cast %get3A_288 : vector<16xf32> to vector<16xf32>
        %mul3A_290 = arith.mulf %get3A_282, %get3A_289 : vector<16xf32>
        %add3A_291 = arith.addf %add3A_277, %mul3A_290 : vector<16xf32>
        %get3A_292 = arith.constant 18 : i32
        %get3A_293 = arith.index_cast %get3A_292 : i32 to index
        %get3A_294 = arith.index_cast %mul3A_43 : i32 to index
        %get3A_295 = tpu.vector_load %arg7[%get3A_293, %get3A_294] {strides = array<i32>} : memref<24x2048xf32, #tpu.memory_space<vmem>>, vector<1x16xf32>,
        %get3A_296 = vector.shape_cast %get3A_295 : vector<1x16xf32> to vector<16xf32>
        %mul3A_297 = arith.constant 16 : i32
        %mul3A_298 = arith.muli %scan3A_40, %mul3A_297 : i32
        %add3A_299 = arith.constant 36864 : i32
        %add3A_300 = arith.addi %add3A_299, %mul3A_298 : i32
        %get3A_301 = arith.index_cast %add3A_300 : i32 to index
        %get3A_302 = tpu.vector_load %arg8[%get3A_301] {strides = array<i32>} : memref<47104xf32, #tpu.memory_space<vmem>>, vector<16xf32>,
        %get3A_303 = vector.shape_cast %get3A_302 : vector<16xf32> to vector<16xf32>
        %mul3A_304 = arith.mulf %get3A_296, %get3A_303 : vector<16xf32>
        %add3A_305 = arith.addf %add3A_291, %mul3A_304 : vector<16xf32>
        %get3A_306 = arith.constant 19 : i32
        %get3A_307 = arith.index_cast %get3A_306 : i32 to index
        %get3A_308 = arith.index_cast %mul3A_43 : i32 to index
        %get3A_309 = tpu.vector_load %arg7[%get3A_307, %get3A_308] {strides = array<i32>} : memref<24x2048xf32, #tpu.memory_space<vmem>>, vector<1x16xf32>,
        %get3A_310 = vector.shape_cast %get3A_309 : vector<1x16xf32> to vector<16xf32>
        %mul3A_311 = arith.constant 16 : i32
        %mul3A_312 = arith.muli %scan3A_40, %mul3A_311 : i32
        %add3A_313 = arith.constant 38912 : i32
        %add3A_314 = arith.addi %add3A_313, %mul3A_312 : i32
        %get3A_315 = arith.index_cast %add3A_314 : i32 to index
        %get3A_316 = tpu.vector_load %arg8[%get3A_315] {strides = array<i32>} : memref<47104xf32, #tpu.memory_space<vmem>>, vector<16xf32>,
        %get3A_317 = vector.shape_cast %get3A_316 : vector<16xf32> to vector<16xf32>
        %mul3A_318 = arith.mulf %get3A_310, %get3A_317 : vector<16xf32>
        %add3A_319 = arith.addf %add3A_305, %mul3A_318 : vector<16xf32>
        %get3A_320 = arith.constant 20 : i32
        %get3A_321 = arith.index_cast %get3A_320 : i32 to index
        %get3A_322 = arith.index_cast %mul3A_43 : i32 to index
        %get3A_323 = tpu.vector_load %arg7[%get3A_321, %get3A_322] {strides = array<i32>} : memref<24x2048xf32, #tpu.memory_space<vmem>>, vector<1x16xf32>,
        %get3A_324 = vector.shape_cast %get3A_323 : vector<1x16xf32> to vector<16xf32>
        %mul3A_325 = arith.constant 16 : i32
        %mul3A_326 = arith.muli %scan3A_40, %mul3A_325 : i32
        %add3A_327 = arith.constant 40960 : i32
        %add3A_328 = arith.addi %add3A_327, %mul3A_326 : i32
        %get3A_329 = arith.index_cast %add3A_328 : i32 to index
        %get3A_330 = tpu.vector_load %arg8[%get3A_329] {strides = array<i32>} : memref<47104xf32, #tpu.memory_space<vmem>>, vector<16xf32>,
        %get3A_331 = vector.shape_cast %get3A_330 : vector<16xf32> to vector<16xf32>
        %mul3A_332 = arith.mulf %get3A_324, %get3A_331 : vector<16xf32>
        %add3A_333 = arith.addf %add3A_319, %mul3A_332 : vector<16xf32>
        %get3A_334 = arith.constant 21 : i32
        %get3A_335 = arith.index_cast %get3A_334 : i32 to index
        %get3A_336 = arith.index_cast %mul3A_43 : i32 to index
        %get3A_337 = tpu.vector_load %arg7[%get3A_335, %get3A_336] {strides = array<i32>} : memref<24x2048xf32, #tpu.memory_space<vmem>>, vector<1x16xf32>,
        %get3A_338 = vector.shape_cast %get3A_337 : vector<1x16xf32> to vector<16xf32>
        %mul3A_339 = arith.constant 16 : i32
        %mul3A_340 = arith.muli %scan3A_40, %mul3A_339 : i32
        %add3A_341 = arith.constant 43008 : i32
        %add3A_342 = arith.addi %add3A_341, %mul3A_340 : i32
        %get3A_343 = arith.index_cast %add3A_342 : i32 to index
        %get3A_344 = tpu.vector_load %arg8[%get3A_343] {strides = array<i32>} : memref<47104xf32, #tpu.memory_space<vmem>>, vector<16xf32>,
        %get3A_345 = vector.shape_cast %get3A_344 : vector<16xf32> to vector<16xf32>
        %mul3A_346 = arith.mulf %get3A_338, %get3A_345 : vector<16xf32>
        %add3A_347 = arith.addf %add3A_333, %mul3A_346 : vector<16xf32>
        %get3A_348 = arith.constant 22 : i32
        %get3A_349 = arith.index_cast %get3A_348 : i32 to index
        %get3A_350 = arith.index_cast %mul3A_43 : i32 to index
        %get3A_351 = tpu.vector_load %arg7[%get3A_349, %get3A_350] {strides = array<i32>} : memref<24x2048xf32, #tpu.memory_space<vmem>>, vector<1x16xf32>,
        %get3A_352 = vector.shape_cast %get3A_351 : vector<1x16xf32> to vector<16xf32>
        %mul3A_353 = arith.constant 16 : i32
        %mul3A_354 = arith.muli %scan3A_40, %mul3A_353 : i32
        %add3A_355 = arith.constant 45056 : i32
        %add3A_356 = arith.addi %add3A_355, %mul3A_354 : i32
        %get3A_357 = arith.index_cast %add3A_356 : i32 to index
        %get3A_358 = tpu.vector_load %arg8[%get3A_357] {strides = array<i32>} : memref<47104xf32, #tpu.memory_space<vmem>>, vector<16xf32>,
        %get3A_359 = vector.shape_cast %get3A_358 : vector<16xf32> to vector<16xf32>
        %mul3A_360 = arith.mulf %get3A_352, %get3A_359 : vector<16xf32>
        %add3A_361 = arith.addf %add3A_347, %mul3A_360 : vector<16xf32>
        %swap3A = arith.index_cast %mul3A_43 : i32 to index
        %swap3A_362 = tpu.vector_load %arg9[%swap3A] {strides = array<i32>} : memref<2048xf32, #tpu.memory_space<vmem>>, vector<16xf32>,
        %swap3A_363 = vector.shape_cast %swap3A_362 : vector<16xf32> to vector<16xf32>
        %swap3A_364 = vector.shape_cast %add3A_361 : vector<16xf32> to vector<16xf32>
        tpu.vector_store %arg9[%swap3A], %swap3A_364 {strides = array<i32>} : memref<2048xf32, #tpu.memory_space<vmem>>, vector<16xf32>,
        %scan3A_365 = arith.constant 0 : i32
        scf.yield %scan3A_365 : i32
      }
      %scan3A_33 = arith.constant 128 : i32
      %add3A_34 = arith.addi %mul3A_2, %scan3A_16 : i32
      %mul3A_35 = arith.constant 4096 : i32
      %mul3A_36 = arith.muli %add3A_34, %mul3A_35 : i32
      %add3A_37 = arith.constant 2048 : i32
      %add3A_38 = arith.addi %mul3A_36, %add3A_37 : i32
      "tpu.region"() ({
        %run_scoped3A = tpu.sem_alloc : memref<!tpu.dma_semaphore, #tpu.memory_space<semaphore_mem>>
        %dma_start3A_40 = tpu.memref_slice %arg5[%add3A_38] : memref<4194304xf32, #tpu.memory_space<hbm>> -> memref<2048xf32, #tpu.memory_space<hbm>>
        %dma_start3A_41 = tpu.memref_slice %arg5[%add3A_38] : memref<4194304xf32, #tpu.memory_space<hbm>> -> memref<2048xf32, #tpu.memory_space<hbm>>
        tpu.enqueue_dma source(%arg9 : memref<2048xf32, #tpu.memory_space<vmem>>) target(%dma_start3A_41 : memref<2048xf32, #tpu.memory_space<hbm>>) target_semaphore(%run_scoped3A : memref<!tpu.dma_semaphore, #tpu.memory_space<semaphore_mem>>)
        %dma_wait3A_42 = tpu.memref_slice %arg5[%add3A_38] : memref<4194304xf32, #tpu.memory_space<hbm>> -> memref<2048xf32, #tpu.memory_space<hbm>>
        %dma_wait3A_43 = tpu.memref_slice %arg5[%add3A_38] : memref<4194304xf32, #tpu.memory_space<hbm>> -> memref<2048xf32, #tpu.memory_space<hbm>>
        tpu.wait_dma2 semaphore(%run_scoped3A : memref<!tpu.dma_semaphore, #tpu.memory_space<semaphore_mem>>) src(%arg9 : memref<2048xf32, #tpu.memory_space<vmem>>) dst(%dma_wait3A_43 : memref<2048xf32, #tpu.memory_space<hbm>>)
        tpu.yield
      }) : () -> ()
      %scan3A_39 = arith.constant 0 : i32
      scf.yield %scan3A_39 : i32
    }
    %scan3A_15 = arith.constant 32 : i32
    return
  }
}

module attributes {stable_mosaic.version = 14 : i64} {
  func.func @_ngram_body(%arg0: i32, %arg1: memref<1x64x4096xf32, #tpu.memory_space<vmem>>, %arg2: memref<1x1x4096xf32, #tpu.memory_space<vmem>>) attributes {dimension_semantics = [#tpu.dimension_semantics<arbitrary>], iteration_bounds = array<i64: 16>, scalar_prefetch = 0 : i64, scratch_operands = 0 : i64, tpu.core_type = #tpu.core_type<tc>, window_params = [{transform_indices = @transform_0, window_bounds = array<i64: 1, 64, 4096>}, {transform_indices = @transform_1, window_bounds = array<i64: 1, 1, 4096>}]} {
    %get3A = arith.constant 0 : index
    %get3A_0 = arith.constant 0 : index
    %get3A_1 = arith.constant 0 : index
    %get3A_2 = vector.load %arg1[%get3A, %get3A_0, %get3A_1] : memref<1x64x4096xf32, #tpu.memory_space<vmem>>, vector<1x64x4096xf32>
    %get3A_3 = vector.shape_cast %get3A_2 : vector<1x64x4096xf32> to vector<64x4096xf32>
    %slice3A = vector.extract_strided_slice %get3A_3 {offsets = [0, 4095], sizes = [64, 1], strides = [1, 1]} : vector<64x4096xf32> to vector<64x1xf32>
    %slice3A_4 = vector.extract_strided_slice %get3A_3 {offsets = [0, 0], sizes = [64, 4095], strides = [1, 1]} : vector<64x4096xf32> to vector<64x4095xf32>
    %concatenate3A = tpu.concatenate %slice3A, %slice3A_4 in 1 : vector<64x1xf32>, vector<64x4095xf32> -> vector<64x4096xf32>
    %slice3A_5 = vector.extract_strided_slice %concatenate3A {offsets = [0, 4095], sizes = [64, 1], strides = [1, 1]} : vector<64x4096xf32> to vector<64x1xf32>
    %slice3A_6 = vector.extract_strided_slice %concatenate3A {offsets = [0, 0], sizes = [64, 4095], strides = [1, 1]} : vector<64x4096xf32> to vector<64x4095xf32>
    %concatenate3A_7 = tpu.concatenate %slice3A_5, %slice3A_6 in 1 : vector<64x1xf32>, vector<64x4095xf32> -> vector<64x4096xf32>
    %slice3A_8 = vector.extract_strided_slice %concatenate3A_7 {offsets = [0, 4095], sizes = [64, 1], strides = [1, 1]} : vector<64x4096xf32> to vector<64x1xf32>
    %slice3A_9 = vector.extract_strided_slice %concatenate3A_7 {offsets = [0, 0], sizes = [64, 4095], strides = [1, 1]} : vector<64x4096xf32> to vector<64x4095xf32>
    %concatenate3A_10 = tpu.concatenate %slice3A_8, %slice3A_9 in 1 : vector<64x1xf32>, vector<64x4095xf32> -> vector<64x4096xf32>
    %slice3A_11 = vector.extract_strided_slice %concatenate3A_10 {offsets = [0, 0], sizes = [61, 4096], strides = [1, 1]} : vector<64x4096xf32> to vector<61x4096xf32>
    %slice3A_12 = vector.extract_strided_slice %concatenate3A_7 {offsets = [1, 0], sizes = [61, 4096], strides = [1, 1]} : vector<64x4096xf32> to vector<61x4096xf32>
    %mul3A = arith.mulf %slice3A_11, %slice3A_12 : vector<61x4096xf32>
    %slice3A_13 = vector.extract_strided_slice %concatenate3A {offsets = [2, 0], sizes = [61, 4096], strides = [1, 1]} : vector<64x4096xf32> to vector<61x4096xf32>
    %mul3A_14 = arith.mulf %mul3A, %slice3A_13 : vector<61x4096xf32>
    %slice3A_15 = vector.extract_strided_slice %get3A_3 {offsets = [3, 0], sizes = [61, 4096], strides = [1, 1]} : vector<64x4096xf32> to vector<61x4096xf32>
    %mul3A_16 = arith.mulf %mul3A_14, %slice3A_15 : vector<61x4096xf32>
    %reduce_sum3A = arith.constant dense<0.000000e+00> : vector<4096xf32>
    %reduce_sum3A_17 = vector.multi_reduction <add>, %mul3A_16, %reduce_sum3A [0] : vector<61x4096xf32> to vector<4096xf32>
    %broadcast_in_dim3A = vector.shape_cast %reduce_sum3A_17 : vector<4096xf32> to vector<1x4096xf32>
    %gt3A = arith.constant 0.000000e+00 : f32
    %gt3A_18 = vector.broadcast %gt3A : f32 to vector<1x4096xf32>
    %gt3A_19 = arith.cmpf ogt, %broadcast_in_dim3A, %gt3A_18 : vector<1x4096xf32>
    %jit3A = arith.constant 1.000000e+00 : f32
    %jit3A_20 = arith.constant -1.000000e+00 : f32
    %broadcast_in_dim3A_21 = vector.broadcast %jit3A : f32 to vector<1x4096xf32>
    %broadcast_in_dim3A_22 = vector.broadcast %jit3A_20 : f32 to vector<1x4096xf32>
    %select_n3A = arith.select %gt3A_19, %broadcast_in_dim3A_21, %broadcast_in_dim3A_22 : vector<1x4096xi1>, vector<1x4096xf32>
    %broadcast_in_dim3A_23 = vector.shape_cast %select_n3A : vector<1x4096xf32> to vector<1x1x4096xf32>
    %swap3A = arith.constant 0 : index
    %swap3A_24 = arith.constant 0 : index
    %swap3A_25 = arith.constant 0 : index
    %swap3A_26 = vector.load %arg2[%swap3A, %swap3A_24, %swap3A_25] : memref<1x1x4096xf32, #tpu.memory_space<vmem>>, vector<1x1x4096xf32>
    tpu.vector_store %arg2[%swap3A, %swap3A_24, %swap3A_25], %broadcast_in_dim3A_23 {strides = array<i32>} : memref<1x1x4096xf32, #tpu.memory_space<vmem>>, vector<1x1x4096xf32>,
    return
  }
  func.func @transform_0(%arg0: i32) -> (i32, i32, i32) {
    %c0_i32 = arith.constant 0 : i32
    %c0_i32_0 = arith.constant 0 : i32
    %c0_i32_1 = arith.constant 0 : i32
    return %arg0, %c0_i32, %c0_i32_0 : i32, i32, i32
  }
  func.func @transform_1(%arg0: i32) -> (i32, i32, i32) {
    %c0_i32 = arith.constant 0 : i32
    %c0_i32_0 = arith.constant 0 : i32
    %c0_i32_1 = arith.constant 0 : i32
    return %arg0, %c0_i32, %c0_i32_0 : i32, i32, i32
  }
}

</mosaic_0001>

<sc_bundles>
// kernel: kernel.4.cloned.1.call-start
scs
__scs_entry_jumppad:
0x0: {  	(pc) =	sbr.rel $0x88, $3  }
0x1: {  	(tag) =	ssettag $0x0;
	lr =	simm.s32 $0x1  }
0x2: {  	[smem:$0x3F9E] =	sst lr;
	_ =	strace $0xD0000000  }
0x3: {  	_ = 	snop  }
0x4: {  	_ = 	snop  }
0x5: {  	_ = 	snop  }
0x6: {  	_ = 	snop  }
0x7: {  	_ = 	snop  }
__scs_overlays_trampoline_lowered:
0x8: {  	[smem:$0x3FAD] =	sst s0  }
0x9: {  	[smem:$0x3FAE] =	sst s1  }
0xa: {  	[smem:$0x3FAF] =	sst s2  }
0xb: {  	[smem:$0x3FB0] =	sst s3  }
0xc: {  	[smem:$0x3FB1] =	sst s4  }
0xd: {  	[smem:$0x3FB2] =	sst s5  }
0xe: {  	[smem:$0x3FB3] =	sst s6  }
0xf: {  	[smem:$0x3FB4] =	sst s7  }
0x10: {  	[smem:$0x3FB5] =	sst s8  }
0x11: {  	[smem:$0x3FB6] =	sst s9;
	s0 =	simm.s32 @!p0 $0x0  }
0x12: {  	s1 =	sld [smem:$0x3F9C];
	s0 =	simm.s32 @p0 $0x1  }
0x13: {  	[smem:$0x3FB7] =	sst s0;
	s0 =	simm.s32 @!p1 $0x0  }
0x14: {  	s2 =	sld [smem:$0x3F9B];
	s0 =	simm.s32 @p1 $0x1  }
0x15: {  	[smem:$0x3FB8] =	sst s0;
	s0 =	simm.s32 @!p2 $0x0  }
0x16: {  	s3 =	sld [smem:$0x3FDB];
	s0 =	simm.s32 @p2 $0x1  }
0x17: {  	s4 =	simm.s32 $0x1BF5;
	[smem:$0x3FBA] =	sst s0  }
0x18: {  	s0 =	sld [smem:$0x3F9D];
	_ =	swait.ge [sflag:s4], $0x0  }
0x19: {  	s7 =	sld [smem:$0x3F9E]  }
0x1a: {  	s8 =	sadd.s32 $0xFFFFE003, lr  }
0x1b: {  	s9 =	sadd.s32 $0xFFFFFEF7, lr;
	s5 =	simm.s32 $0xFFFFFFFF;
	p2 =	slt.u32 s8, $0xFFFFF086  }
0x1c: {  	p1 =	slt.u32 s9, $0xF7A;
	s5 =	simm.s32 @!p2 $0x0  }
0x1d: {  	s5 =	simm.s32 @p1 $0x1;
	p0 =	seq.s32 s7, s2  }
0x1e: {  	s7 =	smul.u32 @!p0 $0xF7A, s2;
	p2 =	seq.s32 @!p0 s5, $0x0  }
0x1f: {  	s9 =	smul.u32 $0xF7A, s1;
	s8 =	simm.s32 @!p0 $0x1BF5;
	p2 =	por !p2, p0  }
0x20: {  	[sflag:s8] =	ssyncset.s32 @!p0 $0xFFFFF086;
	s6 =	sadd.s32 @!p0 s3, s7;
	s7 =	simm.s32 @!p0 $0x108  }
0x21: {  	s3 =	sadd.s32 s3, s9;
	s6 =	sadd.s32 @!p0 $0x88, s6;
	s7 =	simm.s32 @p2 $0x1082  }
0x22: {  	[simem:s7], [sflag:s8] =	dma.local @!p0 [hbm:s6], $0xF7A  }
0x23: {  	s9 =	sor.u32 $0xD0000000, s2;
	s6 =	simm.s32 $0x108;
	_ =	swait.ge @!p0 [sflag:s8], $0x0  }
0x24: {  	s3 =	sadd.s32 $0x88, s3;
	s6 =	simm.s32 @!p1 $0x1082;
	[sflag:s4] =	ssyncset.s32 $0xFFFFF086  }
0x25: {  	[simem:s6], [sflag:s4] =	dma.local [hbm:s3], $0xF7A  }
0x26: {  	[smem:$0x3F9E] =	sst s1;
	(tag) =	ssettag s2;
	_ =	strace s9  }
0x27: {  	s1 =	sld [smem:$0x3FAE]  }
0x28: {  	s2 =	sld [smem:$0x3FAF]  }
0x29: {  	s4 =	sld [smem:$0x3FB1]  }
0x2a: {  	p0 =	seq.s32 s5, $0x0;
	s5 =	sld [smem:$0x3FB2]  }
0x2b: {  	s6 =	sld [smem:$0x3FB3]  }
0x2c: {  	s7 =	sld [smem:$0x3FB4]  }
0x2d: {  	s3 =	simm.s32 $0x108;
	s8 =	sld [smem:$0x3FB5]  }
0x2e: {  	s3 =	simm.s32 @!p0 $0x1082;
	s9 =	sld [smem:$0x3FB6]  }
0x2f: {  	lr =	sadd.s32 s0, s3;
	s0 =	sld [smem:$0x3FAD]  }
0x30: {  	s3 =	sld [smem:$0x3FB0]  }
0x31: {  	[smem:$0x3FB9] =	sst s10  }
0x32: {  	s10 =	sld [smem:$0x3FB7];
	_ =	sdelay $0x3  }
0x33: {  	p0 =	seq.s32 s10, $0x1;
	s10 =	sld [smem:$0x3FB9];
	_ =	sdelay $0x3  }
0x34: {  	[smem:$0x3FB9] =	sst s10  }
0x35: {  	s10 =	sld [smem:$0x3FB8];
	_ =	sdelay $0x3  }
0x36: {  	p1 =	seq.s32 s10, $0x1;
	s10 =	sld [smem:$0x3FB9];
	_ =	sdelay $0x3  }
0x37: {  	[smem:$0x3FB9] =	sst s10  }
0x38: {  	s10 =	sld [smem:$0x3FBA]  }
0x39: {  	_ = 	snop;
	(pc) =	sbr.ind lr, $3  }
0x3a: {  	_ = 	snop  }
0x3b: {  	_ = 	snop  }
0x3c: {  	p2 =	seq.s32 s10, $0x1;
	s10 =	sld [smem:$0x3FB9]  }
0x3d: {  	_ =	shalt  }
0x3e: {  	_ =	shalt  }
0x3f: {  	_ =	shalt  }
0x40: {  	_ =	shalt  }
0x41: {  	_ =	shalt  }
0x42: {  	_ =	shalt  }
0x43: {  	_ =	shalt  }
0x44: {  	_ =	shalt  }
0x45: {  	_ =	shalt  }
0x46: {  	_ =	shalt  }
0x47: {  	_ =	shalt  }
0x48: {  	_ =	shalt  }
0x49: {  	_ =	shalt  }
0x4a: {  	_ =	shalt  }
0x4b: {  	_ =	shalt  }
0x4c: {  	_ =	shalt  }
0x4d: {  	_ =	shalt  }
0x4e: {  	_ =	shalt  }
0x4f: {  	_ =	shalt  }
0x50: {  	_ =	shalt  }
0x51: {  	_ =	shalt  }
0x52: {  	_ =	shalt  }
0x53: {  	_ =	shalt  }
0x54: {  	_ =	shalt  }
0x55: {  	_ =	shalt  }
0x56: {  	_ =	shalt  }
0x57: {  	_ =	shalt  }
0x58: {  	_ =	shalt  }
0x59: {  	_ =	shalt  }
0x5a: {  	_ =	shalt  }
0x5b: {  	_ =	shalt  }
0x5c: {  	_ =	shalt  }
0x5d: {  	_ =	shalt  }
0x5e: {  	_ =	shalt  }
0x5f: {  	_ =	shalt  }
0x60: {  	_ =	shalt  }
0x61: {  	_ =	shalt  }
0x62: {  	_ =	shalt  }
0x63: {  	_ =	shalt  }
0x64: {  	_ =	shalt  }
0x65: {  	_ =	shalt  }
0x66: {  	_ =	shalt  }
0x67: {  	_ =	shalt  }
0x68: {  	_ =	shalt  }
0x69: {  	_ =	shalt  }
0x6a: {  	_ =	shalt  }
0x6b: {  	_ =	shalt  }
0x6c: {  	_ =	shalt  }
0x6d: {  	_ =	shalt  }
0x6e: {  	_ =	shalt  }
0x6f: {  	_ =	shalt  }
0x70: {  	_ =	shalt  }
0x71: {  	_ =	shalt  }
0x72: {  	_ =	shalt  }
0x73: {  	_ =	shalt  }
0x74: {  	_ =	shalt  }
0x75: {  	_ =	shalt  }
0x76: {  	_ =	shalt  }
0x77: {  	_ =	shalt  }
0x78: {  	_ =	shalt  }
0x79: {  	_ =	shalt  }
0x7a: {  	_ =	shalt  }
0x7b: {  	_ =	shalt  }
0x7c: {  	_ =	shalt  }
0x7d: {  	_ =	shalt  }
0x7e: {  	_ =	shalt  }
0x7f: {  	_ =	shalt  }
0x80: {  	_ =	shalt  }
0x81: {  	_ =	shalt  }
0x82: {  	_ =	shalt  }
0x83: {  	_ =	shalt  }
0x84: {  	_ =	shalt  }
0x85: {  	_ =	shalt  }
0x86: {  	_ =	shalt  }
0x87: {  	_ =	shalt  }
.Lfunc_end0:
.L_simem_size_0:
called_computation_lowered:
.L_overlay_start_0:
0x88: {  	s2 =	sld [smem:$0x3FD9]  }
0x89: {  	s3 =	sld [smem:$0x3FFE];
	_ =	sdelay $0x1  }
0x8a: {  	s1 =	srdreg.scid  }
0x8b: {  	s0 =	sand.u32 $0x1, s1  }
0x8c: {  	s17 =	sshll.u32 s0, $0xA;
	s2 =	sadd.s32 s3, s2  }
0x8d: {  	s2 =	sadd.s32 s2, s17  }
0x8e: {  	[smem:$0x3FC5] =	sst s2  }
0x8f: {  	_ = 	snop  }
0x90: {  	s2 =	sld [smem:$0x3FD0];
	(tm) =	ssettm $0x1  }
0x91: {  	s18 =	sld [smem:$0x3FFB];
	_ =	sdelay $0x3  }
0x92: {  	_ =	strace s18  }
0x93: {  	s3 =	sld [smem:$0x3FFC];
	_ =	sdelay $0x3  }
0x94: {  	_ =	strace s3  }
0x95: {  	s3 =	sld [smem:$0x3FFD];
	_ =	sdelay $0x3  }
0x96: {  	_ =	strace s3  }
0x97: {  	_ =	strace $0x8FFFFFFF  }
0x98: {  	s19 =	sld [smem:$0x3FDB];
	_ =	sdelay $0x1  }
0x99: {  	s4 =	simm.s32 $_scs_section_size  }
0x9a: {  	s5 =	simm.s32 $_size__tile_overlayer_lowered;
	s6 =	simm.s32 $_tile_overlayer_lowered  }
0x9b: {  	s22 =	simm.s32 $0x1BFF;
	s21 =	sshll.u32 s6, $0x1;
	s3 =	sadd.s32 s4, s19  }
0x9c: {  	s7 =	simm.s32 $0x0;
	s20 =	sshll.u32 s5, $0x1;
	s5 =	sadd.s32 s21, s3  }
0x9d: {  	[timem:s7], [sflag:s22] =	dma.local [hbm:s5], s20  }
0x9e: {  	_ =	swait.ge [sflag:s22], s20  }
0x9f: {  	s4 =	ssub.s32 $0x0, s20;
	[sflag:s22] =	ssyncset.done $0x0  }
0xa0: {  	[sflag:s22] =	ssyncadd.s32 s4;
	_ =	sdelay $0x1  }
0xa1: {  	s23 =	simm.s32 $0x1B8B  }
0xa2: {  	_ =	swait.ge [sflag:s23], $0x1  }
0xa3: {  	[sflag:s23] =	ssyncset.done $0x0  }
0xa4: {  	s25 =	simm.s32 $0x1B8E;
	s24 =	sld [smem:$0x3FFE];
	[sflag:s23] =	ssyncadd.s32 $0xFFFFFFFF  }
0xa5: {  	s26 =	simm.s32 $execute0_lowered;
	[smem:$0x3FD2] =	sst s25  }
0xa6: {  	s5 =	sshll.u32 s26, $0x1;
	_ =	strace $0x80000046;
	[dreg:$0x1] =	wrdreg $0xFFFFFFFF  }
0xa7: {  	s28 =	simm.s32 $_size_execute0_lowered;
	s3 =	sadd.s32 s3, s5;
	[dreg:$0x0] =	wrdreg $0x0  }
0xa8: {  	s5 =	sshll.u32 s28, $0x1;
	[dreg:$0x2] =	wrdreg s3  }
0xa9: {  	[dreg:$0x3] =	wrdreg s5  }
0xaa: {  	[dreg:$0x4] =	wrdreg $0xC0  }
0xab: {  	_ =	task [dreg:s7], $0x5FFFF  }
0xac: {  	[dreg:$0x1] =	wrdreg $0xFFFFFFFF  }
0xad: {  	[dreg:$0x0] =	wrdreg $0x60  }
0xae: {  	[dreg:$0x2] =	wrdreg s2  }
0xaf: {  	[dreg:$0x3] =	wrdreg s24  }
0xb0: {  	[dreg:$0x4] =	wrdreg $0x9  }
0xb1: {  	_ =	task.clear_ibuf [dreg:s7], $0x5FFFF;
	_ =	strace $0x90000046  }
0xb2: {  	s29 =	simm.s32 $0x9;
	_ =	strace $0x80000048  }
0xb3: {  	_ =	swait.ge [sflag:s29], $0x1  }
0xb4: {  	[sflag:s29] =	ssyncadd.s32 $0xFFFFFFFF  }
0xb5: {  	_ =	strace $0x90000048  }
0xb6: {  	_ =	sfence  }
0xb7: {  	s30 =	sld [smem:$0x0];
	_ =	sdelay $0x2  }
0xb8: {  	s31 =	sshll.u32 s1, $0xD;
	s1 =	sshrl.u32 s1, $0x2  }
0xb9: {  	s3 =	sand.u32 $0x4000, s31;
	s1 =	sadd.s32 s1, s30  }
0xba: {  	s0 =	sor.u32 s3, s0;
	s1 =	sshll.u32 s1, $0x11  }
0xbb: {  	s0 =	sor.u32 s1, s0  }
0xbc: {  	s0 =	sadd.s32 $0x8F2B, s0  }
0xbd: {  	[sflag:s0] =	ssyncadd.remote.s32 $0x1  }
0xbe: {  	_ =	sfence.sel $0xFFFF  }
0xbf: {  	[dreg:$0x0] =	wrdreg $0xFFFFFFFF;
	(pc) =	sbr.abs _section_cstart, $3  }
0xc0: {  	[dreg:$0x1] =	wrdreg $0xFFFFFFFF  }
0xc1: {  	_ =	task.clear_ibuf [dreg:s7], $0x2FFFF;
	_ =	strace $0x9FFFFFFF  }
0xc2: {  	(tm) =	ssettm $0x7FFFFFFF  }
0xc3: {  	_ =	shalt  }
tec
execute0_lowered:
.L_overlay_start_1:
0x0: {  	(tag) =	ssettag $0x1  }
0x1: {  	s17 =	rddreg [dreg:$0x0]  }
0x2: {  	s0 =	rddreg [dreg:$0x1];
	s1 =	simm.s32 $0x0  }
0x3: {  	s28 =	srdreg.scid;
	s5 =	stileid.u32;
	s19 =	simm.s32 $0x2  }
0x4: {  	s16 =	simm.s32 $0xA080;
	s20 =	simm.s32 $0xA880;
	s21 =	simm.s32 $0xB080  }
0x5: {  	s22 =	simm.s32 $0xB880;
	s23 =	simm.s32 $0x1;
	s24 =	simm.s32 $0x17880  }
0x6: {  	[smem:$0x7FF] =	sst s1;
	s4 =	sadd.s32 $0x3400, s0;
	s1 =	sand.u32 $0x1, s28  }
0x7: {  	s2 =	sadd.s32 $0x600, s0;
	s5 =	sshll.u32 s5, $0x6;
	s6 =	sadd.s32 $0x80400, s0  }
0x8: {  	s8 =	sadd.s32 $0x3500, s0;
	s9 =	sadd.s32 $0x3600, s0;
	s10 =	sadd.s32 $0x3700, s0  }
0x9: {  	s11 =	sadd.s32 $0x3800, s0;
	s12 =	sadd.s32 $0x3900, s0;
	s13 =	sadd.s32 $0x3A00, s0  }
0xa: {  	s14 =	sadd.s32 $0x3B00, s0;
	_ =	strace $0x80000047;
	[dreg:$0x3] =	wrdreg s2  }
0xb: {  	s30 =	sadd.s32 $0x1D00, s0;
	s29 =	ssub.s32 $0x2, s1;
	[dreg:$0x4] =	wrdreg s6  }
0xc: {  	s0 =	sadd.s32 $0x80500, s0;
	[dreg:$0x5] =	wrdreg s30;
	s3 =	sshrl.u32 s29, $0x1  }
0xd: {  	v2 =	vlaneseq.u32;
	s1 =	sshll.u32 s1, $0x5;
	[dreg:$0x6] =	wrdreg s0;
	s2 =	ssub.s32 s29, s3  }
0xe: {  	vm0 =	vmmov $0xffff;
	v1 =	vshrl.u32 v2, $0x3;
	s6 =	simm.s32 $0x9080;
	s7 =	sor.u32 s1, s5;
	s31 =	smax.u32 s2, $0x1  }
0xf: {  	v0 =	vand.u32 $0x7, v2;
	v2 =	vor.u32 $0x8, v2;
	v1 =	vmul.u32 $0x8, v1;
	s1 =	simm.s32 $0x0;
	s2 =	simm.s32 $0x9880;
	[dreg:$0x7] =	wrdreg s31  }
.LBB2_1:
0x10: {  	[dreg:$0x8] =	wrdreg s1  }
0x11: {  	s0 =	simm.s32 $0x0;
	s31 =	rddreg [dreg:$0x3];
	s3 =	simm.s32 $0xC080  }
0x12: {  	[tilespmem:s3], [sflag:$0x2] =	stream.linear.gather [hbm4b:s31+s0], $0xB800, $0x38;
	[tilespmem:$0x18080] =	vst v63  }
0x13: {  	_ =	swait.ge [sflag:s19], $0xB800  }
0x14: {  	[sflag:s19] =	ssyncset.done $0x0  }
0x15: {  	s25 =	simm.s32 $0x0;
	[sflag:s19] =	ssyncadd.s32 $0xFFFF4800  }
.LBB2_2:
0x16: {  	s26 =	sor.u32 s7, s25  }
0x17: {  	s0 =	smul.u32 $0x3, s26;
	_ =	sdelay $0x1  }
0x18: {  	s28 =	simm.s32 $0x0;
	s0 =	sadd.s32 s17, s0  }
0x19: {  	[tilespmem:s28], [sflag:$0x2] =	stream.linear.gather [hbm4b:s0+s28], $0x18, $0x38;
	[tilespmem:$0x18080] =	vst v63  }
0x1a: {  	_ =	swait.ge [sflag:s19], $0x18  }
0x1b: {  	[sflag:s19] =	ssyncset.done $0x0  }
0x1c: {  	[sflag:s19] =	ssyncadd.s32 $0xFFFFFFE8  }
0x1d: {  	v3 =	vld [tilespmem:$0x0];
	_ =	sdelay $0x4  }
0x1e: {  	v4 =	vshll.u32 v3, $0x4  }
0x1f: {  	v3 =	vand.u32 $0x7, v3;
	v4 =	vand.u32 $0xFFFFFF80, v4  }
0x20: {  	v3 =	vor.u32 v3, v4  }
0x21: {  	v4 =	vperm.xlane v3, v0;
	_ =	sdelay $0x1  }
0x22: {  	v4 =	vadd.s32 v1, v4;
	_ =	sdelay $0x3  }
0x23: {  	s3 =	simm.s32 $0x80  }
0x24: {  	[tilespmem:s3], [sflag:$0x1] =	stream.indirect_vreg.gather [hbm4b:s4+s28], $0x80, v4, vm0, $0xb8;
	[tilespmem:$0x18080] =	vst v63  }
0x25: {  	s5 =	simm.s32 $0x880  }
0x26: {  	[tilespmem:s5], [sflag:$0x1] =	stream.indirect_vreg.gather [hbm4b:s8+s28], $0x80, v4, vm0, $0xb8;
	[tilespmem:$0x18080] =	vst v63  }
0x27: {  	s15 =	simm.s32 $0x1080  }
0x28: {  	[tilespmem:s15], [sflag:$0x1] =	stream.indirect_vreg.gather [hbm4b:s9+s28], $0x80, v4, vm0, $0xb8;
	[tilespmem:$0x18080] =	vst v63  }
0x29: {  	s18 =	simm.s32 $0x1880  }
0x2a: {  	[tilespmem:s18], [sflag:$0x1] =	stream.indirect_vreg.gather [hbm4b:s10+s28], $0x80, v4, vm0, $0xb8;
	[tilespmem:$0x18080] =	vst v63  }
0x2b: {  	s1 =	simm.s32 $0x2080  }
0x2c: {  	[tilespmem:s1], [sflag:$0x1] =	stream.indirect_vreg.gather [hbm4b:s11+s28], $0x80, v4, vm0, $0xb8;
	[tilespmem:$0x18080] =	vst v63  }
0x2d: {  	v3 =	vperm.xlane v3, v2;
	s3 =	simm.s32 $0x2880  }
0x2e: {  	[tilespmem:s3], [sflag:$0x1] =	stream.indirect_vreg.gather [hbm4b:s12+s28], $0x80, v4, vm0, $0xb8;
	[tilespmem:$0x18080] =	vst v63  }
0x2f: {  	v3 =	vadd.s32 v1, v3;
	s5 =	simm.s32 $0x3080  }
0x30: {  	[tilespmem:s5], [sflag:$0x1] =	stream.indirect_vreg.gather [hbm4b:s13+s28], $0x80, v4, vm0, $0xb8;
	[tilespmem:$0x18080] =	vst v63  }
0x31: {  	s15 =	simm.s32 $0x3880  }
0x32: {  	[tilespmem:s15], [sflag:$0x1] =	stream.indirect_vreg.gather [hbm4b:s14+s28], $0x80, v4, vm0, $0xb8;
	[tilespmem:$0x18080] =	vst v63  }
0x33: {  	s18 =	simm.s32 $0x4080  }
0x34: {  	[tilespmem:s18], [sflag:$0x1] =	stream.indirect_vreg.gather [hbm4b:s4+s28], $0x80, v3, vm0, $0xb8;
	[tilespmem:$0x18080] =	vst v63  }
0x35: {  	s1 =	simm.s32 $0x4880  }
0x36: {  	[tilespmem:s1], [sflag:$0x1] =	stream.indirect_vreg.gather [hbm4b:s8+s28], $0x80, v3, vm0, $0xb8;
	[tilespmem:$0x18080] =	vst v63  }
0x37: {  	s3 =	simm.s32 $0x5080  }
0x38: {  	[tilespmem:s3], [sflag:$0x1] =	stream.indirect_vreg.gather [hbm4b:s9+s28], $0x80, v3, vm0, $0xb8;
	[tilespmem:$0x18080] =	vst v63  }
0x39: {  	s5 =	simm.s32 $0x5880  }
0x3a: {  	[tilespmem:s5], [sflag:$0x1] =	stream.indirect_vreg.gather [hbm4b:s10+s28], $0x80, v3, vm0, $0xb8;
	[tilespmem:$0x18080] =	vst v63  }
0x3b: {  	s15 =	simm.s32 $0x6080  }
0x3c: {  	[tilespmem:s15], [sflag:$0x1] =	stream.indirect_vreg.gather [hbm4b:s11+s28], $0x80, v3, vm0, $0xb8;
	[tilespmem:$0x18080] =	vst v63  }
0x3d: {  	s18 =	simm.s32 $0x6880  }
0x3e: {  	[tilespmem:s18], [sflag:$0x1] =	stream.indirect_vreg.gather [hbm4b:s12+s28], $0x80, v3, vm0, $0xb8;
	[tilespmem:$0x18080] =	vst v63  }
0x3f: {  	s1 =	simm.s32 $0x7080  }
0x40: {  	[tilespmem:s1], [sflag:$0x1] =	stream.indirect_vreg.gather [hbm4b:s13+s28], $0x80, v3, vm0, $0xb8;
	[tilespmem:$0x18080] =	vst v63  }
0x41: {  	s3 =	simm.s32 $0x7880  }
0x42: {  	[tilespmem:s3], [sflag:$0x1] =	stream.indirect_vreg.gather [hbm4b:s14+s28], $0x80, v3, vm0, $0xb8;
	[tilespmem:$0x18080] =	vst v63  }
0x43: {  	v3 =	vld.msk [tilespmem:$0x10], $0xff;
	_ =	sdelay $0x4  }
0x44: {  	v4 =	vshll.u32 v3, $0x4  }
0x45: {  	v3 =	vand.u32 $0x7, v3;
	v4 =	vand.u32 $0xFFFFFF80, v4  }
0x46: {  	v3 =	vor.u32 v3, v4  }
0x47: {  	v3 =	vperm.xlane v3, v0;
	_ =	sdelay $0x1  }
0x48: {  	v3 =	vadd.s32 v1, v3;
	_ =	sdelay $0x3  }
0x49: {  	s5 =	simm.s32 $0x8080  }
0x4a: {  	[tilespmem:s5], [sflag:$0x1] =	stream.indirect_vreg.gather [hbm4b:s4+s28], $0x80, v3, vm0, $0xb8;
	[tilespmem:$0x18080] =	vst v63  }
0x4b: {  	s15 =	simm.s32 $0x8880  }
0x4c: {  	[tilespmem:s15], [sflag:$0x1] =	stream.indirect_vreg.gather [hbm4b:s8+s28], $0x80, v3, vm0, $0xb8;
	[tilespmem:$0x18080] =	vst v63  }
0x4d: {  	_ = 	snop  }
0x4e: {  	[tilespmem:s6], [sflag:$0x1] =	stream.indirect_vreg.gather [hbm4b:s9+s28], $0x80, v3, vm0, $0xb8;
	[tilespmem:$0x18080] =	vst v63  }
0x4f: {  	_ = 	snop  }
0x50: {  	[tilespmem:s2], [sflag:$0x1] =	stream.indirect_vreg.gather [hbm4b:s10+s28], $0x80, v3, vm0, $0xb8;
	[tilespmem:$0x18080] =	vst v63  }
0x51: {  	_ = 	snop  }
0x52: {  	[tilespmem:s16], [sflag:$0x1] =	stream.indirect_vreg.gather [hbm4b:s11+s28], $0x80, v3, vm0, $0xb8;
	[tilespmem:$0x18080] =	vst v63  }
0x53: {  	_ = 	snop  }
0x54: {  	[tilespmem:s20], [sflag:$0x1] =	stream.indirect_vreg.gather [hbm4b:s12+s28], $0x80, v3, vm0, $0xb8;
	[tilespmem:$0x18080] =	vst v63  }
0x55: {  	_ = 	snop  }
0x56: {  	[tilespmem:s21], [sflag:$0x1] =	stream.indirect_vreg.gather [hbm4b:s13+s28], $0x80, v3, vm0, $0xb8;
	[tilespmem:$0x18080] =	vst v63  }
0x57: {  	_ = 	snop  }
0x58: {  	[tilespmem:s22], [sflag:$0x1] =	stream.indirect_vreg.gather [hbm4b:s14+s28], $0x80, v3, vm0, $0xb8;
	[tilespmem:$0x18080] =	vst v63  }
0x59: {  	_ =	swait.ge [sflag:s23], $0xC000  }
0x5a: {  	s18 =	sand.u32 $0x70, s28;
	[sflag:s23] =	ssyncset.done $0x0  }
0x5b: {  	s3 =	simm.s32 $0xC080;
	s5 =	sand.u32 $0x3C00, s28;
	[sflag:s23] =	ssyncadd.s32 $0xFFFF4000  }
0x5c: {  	s0 =	sor.u32 s18, s5;
	v3 =	vld [tilespmem:s3+$0x0]  }
0x5d: {  	v4 =	vld [tilespmem:s0+$0x80]  }
0x5e: {  	s1 =	sand.u32 $0x7F0, s28;
	v5 =	vld [tilespmem:s0+$0x100]  }
0x5f: {  	v6 =	vld [tilespmem:s1+$0xC880]  }
0x60: {  	v7 =	vld [tilespmem:s0+$0x180]  }
0x61: {  	v8 =	vld [tilespmem:s1+$0xD080]  }
0x62: {  	v9 =	vld [tilespmem:s0+$0x200]  }
0x63: {  	v10 =	vld [tilespmem:s1+$0xD880]  }
0x64: {  	v3 =	vmul.f32 v3, v4;
	v4 =	vmul.f32 v6, v5;
	v5 =	vld [tilespmem:s0+$0x280]  }
0x65: {  	v6 =	vld [tilespmem:s1+$0xE080]  }
0x66: {  	s15 =	sand.u32 $0x7, s28;
	v46 =	vld [tilespmem:s1+$0xE880];
	v3 =	vadd.f32 v4, v3;
	v4 =	vmul.f32 v8, v7  }
0x67: {  	s5 =	sshll.u32 s15, $0x4;
	v7 =	vld [tilespmem:s0+$0x300]  }
0x68: {  	s5 =	sadd.s32 $0x0, s5;
	v47 =	vld [tilespmem:s0+$0x380];
	v3 =	vadd.f32 v4, v3;
	v4 =	vmul.f32 v10, v9  }
0x69: {  	s5 =	sor.u32 $0x380, s5;
	v48 =	vld [tilespmem:s1+$0xF080]  }
0x6a: {  	v3 =	vadd.f32 v4, v3;
	v4 =	vmul.f32 v6, v5;
	v5 =	vld [tilespmem:s5+$0x80]  }
0x6b: {  	v6 =	vld [tilespmem:s1+$0xF880]  }
0x6c: {  	v49 =	vld [tilespmem:s1+$0x10080];
	v3 =	vadd.f32 v4, v3;
	v4 =	vmul.f32 v46, v7  }
0x6d: {  	v7 =	vld [tilespmem:s0+$0x4080]  }
0x6e: {  	v50 =	vld [tilespmem:s0+$0x4100];
	v3 =	vadd.f32 v4, v3;
	v4 =	vmul.f32 v48, v47  }
0x6f: {  	v51 =	vld [tilespmem:s1+$0x10880]  }
0x70: {  	v3 =	vadd.f32 v4, v3;
	v4 =	vmul.f32 v6, v5;
	v5 =	vld [tilespmem:s0+$0x4180]  }
0x71: {  	v6 =	vld [tilespmem:s1+$0x11080]  }
0x72: {  	v52 =	vld [tilespmem:s1+$0x11880];
	v3 =	vadd.f32 v4, v3;
	v4 =	vmul.f32 v49, v7  }
0x73: {  	v7 =	vld [tilespmem:s0+$0x4200]  }
0x74: {  	v53 =	vld [tilespmem:s0+$0x4280];
	v3 =	vadd.f32 v4, v3;
	v4 =	vmul.f32 v51, v50  }
0x75: {  	v54 =	vld [tilespmem:s1+$0x12080]  }
0x76: {  	v3 =	vadd.f32 v4, v3;
	v4 =	vmul.f32 v6, v5;
	v5 =	vld [tilespmem:s0+$0x4300]  }
0x77: {  	v6 =	vld [tilespmem:s1+$0x12880]  }
0x78: {  	v55 =	vld [tilespmem:s1+$0x13080];
	v3 =	vadd.f32 v4, v3;
	v4 =	vmul.f32 v52, v7  }
0x79: {  	v7 =	vld [tilespmem:s0+$0x4380]  }
0x7a: {  	v56 =	vld [tilespmem:s0+$0x4400];
	v3 =	vadd.f32 v4, v3;
	v4 =	vmul.f32 v54, v53  }
0x7b: {  	v57 =	vld [tilespmem:s1+$0x13880]  }
0x7c: {  	v3 =	vadd.f32 v4, v3;
	v4 =	vmul.f32 v6, v5;
	v5 =	vld [tilespmem:s0+$0x8080]  }
0x7d: {  	v6 =	vld [tilespmem:s1+$0x14080]  }
0x7e: {  	v58 =	vld [tilespmem:s1+$0x14880];
	v3 =	vadd.f32 v4, v3;
	v4 =	vmul.f32 v55, v7  }
0x7f: {  	v7 =	vld [tilespmem:s0+$0x8100]  }
0x80: {  	v59 =	vld [tilespmem:s0+$0x8180];
	v3 =	vadd.f32 v4, v3;
	v4 =	vmul.f32 v57, v56  }
0x81: {  	v60 =	vld [tilespmem:s1+$0x15080]  }
0x82: {  	v3 =	vadd.f32 v4, v3;
	v4 =	vmul.f32 v6, v5;
	v5 =	vld [tilespmem:s0+$0x8200]  }
0x83: {  	v6 =	vld [tilespmem:s1+$0x15880]  }
0x84: {  	v61 =	vld [tilespmem:s1+$0x16080];
	v3 =	vadd.f32 v4, v3;
	v4 =	vmul.f32 v58, v7  }
0x85: {  	v7 =	vld [tilespmem:s0+$0x8280]  }
0x86: {  	v62 =	vld [tilespmem:s0+$0x8300];
	v3 =	vadd.f32 v4, v3;
	v4 =	vmul.f32 v60, v59  }
0x87: {  	v63 =	vld [tilespmem:s1+$0x16880]  }
0x88: {  	v3 =	vadd.f32 v4, v3;
	v4 =	vmul.f32 v6, v5;
	v5 =	vld [tilespmem:s0+$0x8380]  }
0x89: {  	v6 =	vld [tilespmem:s1+$0x17080]  }
0x8a: {  	v3 =	vadd.f32 v4, v3;
	v4 =	vmul.f32 v61, v7;
	_ =	sdelay $0x1  }
0x8b: {  	v3 =	vadd.f32 v4, v3;
	v4 =	vmul.f32 v63, v62;
	_ =	sdelay $0x1  }
0x8c: {  	v3 =	vadd.f32 v4, v3;
	v4 =	vmul.f32 v6, v5;
	_ =	sdelay $0x1  }
0x8d: {  	v3 =	vadd.f32 v4, v3  }
0x8e: {  	s29 =	simm.s32 $0x17880;
	s31 =	simm.s32 $0x80;
	s0 =	simm.s32 $0x10  }
0x8f: {  	s15 =	sand.u32 $0x3C00, s31;
	s3 =	simm.s32 $0xC090;
	s18 =	sand.u32 $0x70, s0;
	[tilespmem:s29+$0x0] =	vst v3  }
0x90: {  	s30 =	sor.u32 s18, s15;
	v3 =	vld [tilespmem:s3+$0x0]  }
0x91: {  	s5 =	simm.s32 $0x20;
	v4 =	vld [tilespmem:s30+$0x80]  }
.LBB2_3:
0x92: {  	p0 =	sne.s32 s5, $0x7F0;
	v5 =	vld [tilespmem:s30+$0x100];
	s18 =	sand.u32 $0x7F0, s0;
	s0 =	smov.u32 s5  }
0x93: {  	v6 =	vld [tilespmem:s18+$0xC880]  }
0x94: {  	v7 =	vld [tilespmem:s30+$0x180]  }
0x95: {  	v8 =	vld [tilespmem:s18+$0xD080]  }
0x96: {  	v9 =	vld [tilespmem:s30+$0x200]  }
0x97: {  	v10 =	vld [tilespmem:s18+$0xD880]  }
0x98: {  	v3 =	vmul.f32 v3, v4;
	v4 =	vmul.f32 v6, v5;
	v5 =	vld [tilespmem:s30+$0x280]  }
0x99: {  	s28 =	sadd.s32 $0x1, s28;
	v6 =	vld [tilespmem:s18+$0xE080]  }
0x9a: {  	s15 =	sand.u32 $0x7, s28;
	v3 =	vadd.f32 v4, v3;
	v4 =	vmul.f32 v8, v7;
	v7 =	vld [tilespmem:s30+$0x300]  }
0x9b: {  	s15 =	sshll.u32 s15, $0x4;
	v8 =	vld [tilespmem:s18+$0xE880]  }
0x9c: {  	s15 =	sadd.s32 s15, s31;
	v3 =	vadd.f32 v4, v3;
	v4 =	vmul.f32 v10, v9;
	v9 =	vld [tilespmem:s30+$0x380]  }
0x9d: {  	s15 =	sor.u32 $0x380, s15;
	v10 =	vld [tilespmem:s18+$0xF080]  }
0x9e: {  	v3 =	vadd.f32 v4, v3;
	v4 =	vmul.f32 v6, v5;
	v5 =	vld [tilespmem:s15+$0x80]  }
0x9f: {  	v6 =	vld [tilespmem:s18+$0xF880]  }
0xa0: {  	v3 =	vadd.f32 v4, v3;
	v4 =	vmul.f32 v8, v7;
	v7 =	vld [tilespmem:s30+$0x4080]  }
0xa1: {  	v8 =	vld [tilespmem:s18+$0x10080]  }
0xa2: {  	v3 =	vadd.f32 v4, v3;
	v4 =	vmul.f32 v10, v9;
	v9 =	vld [tilespmem:s30+$0x4100]  }
0xa3: {  	v10 =	vld [tilespmem:s18+$0x10880]  }
0xa4: {  	v3 =	vadd.f32 v4, v3;
	v4 =	vmul.f32 v6, v5;
	v5 =	vld [tilespmem:s30+$0x4180]  }
0xa5: {  	v6 =	vld [tilespmem:s18+$0x11080]  }
0xa6: {  	v3 =	vadd.f32 v4, v3;
	v4 =	vmul.f32 v8, v7;
	v7 =	vld [tilespmem:s30+$0x4200]  }
0xa7: {  	v8 =	vld [tilespmem:s18+$0x11880]  }
0xa8: {  	v3 =	vadd.f32 v4, v3;
	v4 =	vmul.f32 v10, v9;
	v9 =	vld [tilespmem:s30+$0x4280]  }
0xa9: {  	v10 =	vld [tilespmem:s18+$0x12080]  }
0xaa: {  	v3 =	vadd.f32 v4, v3;
	v4 =	vmul.f32 v6, v5;
	v5 =	vld [tilespmem:s30+$0x4300]  }
0xab: {  	v6 =	vld [tilespmem:s18+$0x12880]  }
0xac: {  	v3 =	vadd.f32 v4, v3;
	v4 =	vmul.f32 v8, v7;
	v7 =	vld [tilespmem:s30+$0x4380]  }
0xad: {  	v8 =	vld [tilespmem:s18+$0x13080]  }
0xae: {  	v3 =	vadd.f32 v4, v3;
	v4 =	vmul.f32 v10, v9;
	v9 =	vld [tilespmem:s30+$0x4400]  }
0xaf: {  	v10 =	vld [tilespmem:s18+$0x13880]  }
0xb0: {  	v3 =	vadd.f32 v4, v3;
	v4 =	vmul.f32 v6, v5;
	v5 =	vld [tilespmem:s30+$0x8080]  }
0xb1: {  	v6 =	vld [tilespmem:s18+$0x14080]  }
0xb2: {  	v3 =	vadd.f32 v4, v3;
	v4 =	vmul.f32 v8, v7;
	v7 =	vld [tilespmem:s30+$0x8100]  }
0xb3: {  	v8 =	vld [tilespmem:s18+$0x14880]  }
0xb4: {  	v3 =	vadd.f32 v4, v3;
	v4 =	vmul.f32 v10, v9;
	v9 =	vld [tilespmem:s30+$0x8180]  }
0xb5: {  	v10 =	vld [tilespmem:s18+$0x15080]  }
0xb6: {  	v3 =	vadd.f32 v4, v3;
	v4 =	vmul.f32 v6, v5;
	v5 =	vld [tilespmem:s30+$0x8200]  }
0xb7: {  	v6 =	vld [tilespmem:s18+$0x15880]  }
0xb8: {  	v3 =	vadd.f32 v4, v3;
	v4 =	vmul.f32 v8, v7;
	v7 =	vld [tilespmem:s30+$0x8280]  }
0xb9: {  	v8 =	vld [tilespmem:s18+$0x16080]  }
0xba: {  	v3 =	vadd.f32 v4, v3;
	v4 =	vmul.f32 v10, v9;
	v9 =	vld [tilespmem:s30+$0x8300]  }
0xbb: {  	v10 =	vld [tilespmem:s18+$0x16880]  }
0xbc: {  	v3 =	vadd.f32 v4, v3;
	v4 =	vmul.f32 v6, v5;
	v5 =	vld [tilespmem:s30+$0x8380]  }
0xbd: {  	v6 =	vld [tilespmem:s18+$0x17080]  }
0xbe: {  	v3 =	vadd.f32 v4, v3;
	v4 =	vmul.f32 v8, v7;
	_ =	sdelay $0x1  }
0xbf: {  	v3 =	vadd.f32 v4, v3;
	v4 =	vmul.f32 v10, v9;
	_ =	sdelay $0x1  }
0xc0: {  	v3 =	vadd.f32 v4, v3;
	v4 =	vmul.f32 v6, v5;
	_ =	sdelay $0x1  }
.Ltmp0:
0xc1: {  	v3 =	vadd.f32 v4, v3;
	(pc) =	sbr.rel @p0 .LBB2_3-.Ltmp0, $4  }
0xc2: {  	s29 =	sadd.s32 $0x10, s29;
	s31 =	sadd.s32 $0x80, s31  }
0xc3: {  	s3 =	sadd.s32 $0x10, s3;
	s15 =	sand.u32 $0x70, s5;
	s18 =	sand.u32 $0x3C00, s31;
	[tilespmem:s29+$0x0] =	vst v3  }
0xc4: {  	s30 =	sor.u32 s15, s18;
	v3 =	vld [tilespmem:s3+$0x0]  }
0xc5: {  	s5 =	sadd.s32 $0x10, s5;
	v4 =	vld [tilespmem:s30+$0x80]  }
0xc6: {  	v5 =	vld [tilespmem:s30+$0x100];
	s0 =	sand.u32 $0x7F0, s0  }
0xc7: {  	v6 =	vld [tilespmem:s0+$0xC880]  }
0xc8: {  	v7 =	vld [tilespmem:s30+$0x180]  }
0xc9: {  	v8 =	vld [tilespmem:s0+$0xD080]  }
0xca: {  	v9 =	vld [tilespmem:s30+$0x200]  }
0xcb: {  	v10 =	vld [tilespmem:s0+$0xD880]  }
0xcc: {  	v57 =	vld [tilespmem:s30+$0x280];
	v3 =	vmul.f32 v3, v4;
	v56 =	vmul.f32 v6, v5  }
0xcd: {  	v58 =	vld [tilespmem:s0+$0xE080]  }
0xce: {  	s3 =	sadd.s32 $0x1, s28;
	v60 =	vld [tilespmem:s30+$0x300];
	v59 =	vmul.f32 v8, v7;
	v3 =	vadd.f32 v56, v3  }
0xcf: {  	s3 =	sand.u32 $0x7, s3;
	v61 =	vld [tilespmem:s0+$0xE880]  }
0xd0: {  	v63 =	vld [tilespmem:s30+$0x380];
	s3 =	sshll.u32 s3, $0x4;
	v62 =	vmul.f32 v10, v9;
	v3 =	vadd.f32 v59, v3  }
0xd1: {  	v12 =	vld [tilespmem:s0+$0xF080];
	s3 =	sadd.s32 s3, s31  }
0xd2: {  	v15 =	vld [tilespmem:s0+$0xF880];
	s3 =	sor.u32 $0x380, s3;
	v13 =	vmul.f32 v58, v57;
	v3 =	vadd.f32 v62, v3  }
0xd3: {  	v14 =	vld [tilespmem:s3+$0x80]  }
0xd4: {  	v17 =	vld [tilespmem:s30+$0x4080];
	v16 =	vmul.f32 v61, v60;
	v3 =	vadd.f32 v13, v3  }
0xd5: {  	v18 =	vld [tilespmem:s0+$0x10080]  }
0xd6: {  	v20 =	vld [tilespmem:s30+$0x4100];
	v19 =	vmul.f32 v12, v63;
	v3 =	vadd.f32 v16, v3  }
0xd7: {  	v21 =	vld [tilespmem:s0+$0x10880]  }
0xd8: {  	v23 =	vld [tilespmem:s30+$0x4180];
	v22 =	vmul.f32 v15, v14;
	v3 =	vadd.f32 v19, v3  }
0xd9: {  	v24 =	vld [tilespmem:s0+$0x11080]  }
0xda: {  	v26 =	vld [tilespmem:s30+$0x4200];
	v25 =	vmul.f32 v18, v17;
	v3 =	vadd.f32 v22, v3  }
0xdb: {  	v27 =	vld [tilespmem:s0+$0x11880]  }
0xdc: {  	v29 =	vld [tilespmem:s30+$0x4280];
	v28 =	vmul.f32 v21, v20;
	v3 =	vadd.f32 v25, v3  }
0xdd: {  	v30 =	vld [tilespmem:s0+$0x12080]  }
0xde: {  	v32 =	vld [tilespmem:s30+$0x4300];
	v31 =	vmul.f32 v24, v23;
	v3 =	vadd.f32 v28, v3  }
0xdf: {  	v33 =	vld [tilespmem:s0+$0x12880]  }
0xe0: {  	v35 =	vld [tilespmem:s30+$0x4380];
	v34 =	vmul.f32 v27, v26;
	v3 =	vadd.f32 v31, v3  }
0xe1: {  	v36 =	vld [tilespmem:s0+$0x13080]  }
0xe2: {  	v38 =	vld [tilespmem:s30+$0x4400];
	v37 =	vmul.f32 v30, v29;
	v3 =	vadd.f32 v34, v3  }
0xe3: {  	v39 =	vld [tilespmem:s0+$0x13880]  }
0xe4: {  	v41 =	vld [tilespmem:s30+$0x8080];
	v40 =	vmul.f32 v33, v32;
	v3 =	vadd.f32 v37, v3  }
0xe5: {  	v42 =	vld [tilespmem:s0+$0x14080]  }
0xe6: {  	v44 =	vld [tilespmem:s30+$0x8100];
	v43 =	vmul.f32 v36, v35;
	v3 =	vadd.f32 v40, v3  }
0xe7: {  	v45 =	vld [tilespmem:s0+$0x14880]  }
0xe8: {  	v47 =	vld [tilespmem:s30+$0x8180];
	v46 =	vmul.f32 v39, v38;
	v3 =	vadd.f32 v43, v3  }
0xe9: {  	v48 =	vld [tilespmem:s0+$0x15080]  }
0xea: {  	v50 =	vld [tilespmem:s30+$0x8200];
	v49 =	vmul.f32 v42, v41;
	v3 =	vadd.f32 v46, v3  }
0xeb: {  	v51 =	vld [tilespmem:s0+$0x15880]  }
0xec: {  	v53 =	vld [tilespmem:s30+$0x8280];
	v52 =	vmul.f32 v45, v44;
	v3 =	vadd.f32 v49, v3  }
0xed: {  	v54 =	vld [tilespmem:s0+$0x16080]  }
0xee: {  	v55 =	vmul.f32 v48, v47;
	v57 =	vld [tilespmem:s0+$0x16880];
	v3 =	vadd.f32 v52, v3  }
0xef: {  	v56 =	vld [tilespmem:s30+$0x8300]  }
0xf0: {  	v58 =	vmul.f32 v51, v50;
	v60 =	vld [tilespmem:s0+$0x17080];
	v3 =	vadd.f32 v55, v3  }
0xf1: {  	v59 =	vld [tilespmem:s30+$0x8380]  }
0xf2: {  	v61 =	vmul.f32 v54, v53;
	v3 =	vadd.f32 v58, v3;
	_ =	sdelay $0x1  }
0xf3: {  	v62 =	vmul.f32 v57, v56;
	v3 =	vadd.f32 v61, v3;
	_ =	sdelay $0x1  }
0xf4: {  	v63 =	vmul.f32 v60, v59;
	v3 =	vadd.f32 v62, v3;
	_ =	sdelay $0x1  }
0xf5: {  	s29 =	sadd.s32 $0x10, s29;
	s25 =	sadd.s32 $0x1, s25;
	v3 =	vadd.f32 v63, v3  }
0xf6: {  	p0 =	sne.s32 s25, $0x20;
	s31 =	rddreg [dreg:$0x4];
	s30 =	sshll.u32 s26, $0x9  }
.Ltmp1:
0xf7: {  	s1 =	simm.s32 $0x0;
	s0 =	sadd.s32 s31, s30;
	[tilespmem:s29+$0x0] =	vst v3;
	(pc) =	sbr.rel @p0 .LBB2_2-.Ltmp1, $4  }
0xf8: {  	[hbm4b:s0+s1] =	stream.linear.scatter [tilespmem:s24], [sflag:$0x2], $0x800, $0x38;
	[tilespmem:$0x18080] =	vst v63  }
0xf9: {  	_ =	swait.ge [sflag:s19], $0x800  }
0xfa: {  	[sflag:s19] =	ssyncset.done $0x0  }
0xfb: {  	[sflag:s19] =	ssyncadd.s32 $0xFFFFF800  }
0xfc: {  	s25 =	simm.s32 $0x0;
	s0 =	rddreg [dreg:$0x5];
	s1 =	simm.s32 $0xC080  }
0xfd: {  	[tilespmem:s1], [sflag:$0x2] =	stream.linear.gather [hbm4b:s0+s25], $0xB800, $0x38;
	[tilespmem:$0x18080] =	vst v63  }
0xfe: {  	_ =	swait.ge [sflag:s19], $0xB800  }
0xff: {  	[sflag:s19] =	ssyncset.done $0x0  }
0x100: {  	s26 =	simm.s32 $0x0;
	[sflag:s19] =	ssyncadd.s32 $0xFFFF4800  }
.LBB2_6:
0x101: {  	s28 =	sor.u32 s7, s26  }
0x102: {  	s0 =	smul.u32 $0x18, s28;
	_ =	sdelay $0x1  }
0x103: {  	s0 =	sshrl.u32 s0, $0x3  }
0x104: {  	s0 =	sadd.s32 s17, s0  }
0x105: {  	s0 =	sadd.s32 $0xC00, s0  }
0x106: {  	[tilespmem:s25], [sflag:$0x2] =	stream.linear.gather [hbm4b:s0+s25], $0x18, $0x38;
	[tilespmem:$0x18080] =	vst v63  }
0x107: {  	_ =	swait.ge [sflag:s19], $0x18  }
0x108: {  	[sflag:s19] =	ssyncset.done $0x0  }
0x109: {  	[sflag:s19] =	ssyncadd.s32 $0xFFFFFFE8  }
0x10a: {  	v3 =	vld [tilespmem:$0x0];
	_ =	sdelay $0x4  }
0x10b: {  	v4 =	vshll.u32 v3, $0x4  }
0x10c: {  	v3 =	vand.u32 $0x7, v3;
	v4 =	vand.u32 $0xFFFFFF80, v4  }
0x10d: {  	v3 =	vor.u32 v3, v4  }
0x10e: {  	v4 =	vperm.xlane v3, v0;
	_ =	sdelay $0x1  }
0x10f: {  	v4 =	vadd.s32 v1, v4;
	_ =	sdelay $0x3  }
0x110: {  	s5 =	simm.s32 $0x80  }
0x111: {  	[tilespmem:s5], [sflag:$0x1] =	stream.indirect_vreg.gather [hbm4b:s4+s25], $0x80, v4, vm0, $0xb8;
	[tilespmem:$0x18080] =	vst v63  }
0x112: {  	s15 =	simm.s32 $0x880  }
0x113: {  	[tilespmem:s15], [sflag:$0x1] =	stream.indirect_vreg.gather [hbm4b:s8+s25], $0x80, v4, vm0, $0xb8;
	[tilespmem:$0x18080] =	vst v63  }
0x114: {  	s1 =	smov.u32 s17;
	s17 =	simm.s32 $0x1080  }
0x115: {  	[tilespmem:s17], [sflag:$0x1] =	stream.indirect_vreg.gather [hbm4b:s9+s25], $0x80, v4, vm0, $0xb8;
	[tilespmem:$0x18080] =	vst v63  }
0x116: {  	s18 =	simm.s32 $0x1880  }
0x117: {  	[tilespmem:s18], [sflag:$0x1] =	stream.indirect_vreg.gather [hbm4b:s10+s25], $0x80, v4, vm0, $0xb8;
	[tilespmem:$0x18080] =	vst v63  }
0x118: {  	s3 =	simm.s32 $0x2080  }
0x119: {  	[tilespmem:s3], [sflag:$0x1] =	stream.indirect_vreg.gather [hbm4b:s11+s25], $0x80, v4, vm0, $0xb8;
	[tilespmem:$0x18080] =	vst v63  }
0x11a: {  	v3 =	vperm.xlane v3, v2;
	s5 =	simm.s32 $0x2880  }
0x11b: {  	[tilespmem:s5], [sflag:$0x1] =	stream.indirect_vreg.gather [hbm4b:s12+s25], $0x80, v4, vm0, $0xb8;
	[tilespmem:$0x18080] =	vst v63  }
0x11c: {  	v3 =	vadd.s32 v1, v3;
	s15 =	simm.s32 $0x3080  }
0x11d: {  	[tilespmem:s15], [sflag:$0x1] =	stream.indirect_vreg.gather [hbm4b:s13+s25], $0x80, v4, vm0, $0xb8;
	[tilespmem:$0x18080] =	vst v63  }
0x11e: {  	s17 =	simm.s32 $0x3880  }
0x11f: {  	[tilespmem:s17], [sflag:$0x1] =	stream.indirect_vreg.gather [hbm4b:s14+s25], $0x80, v4, vm0, $0xb8;
	[tilespmem:$0x18080] =	vst v63  }
0x120: {  	s18 =	simm.s32 $0x4080  }
0x121: {  	[tilespmem:s18], [sflag:$0x1] =	stream.indirect_vreg.gather [hbm4b:s4+s25], $0x80, v3, vm0, $0xb8;
	[tilespmem:$0x18080] =	vst v63  }
0x122: {  	s3 =	simm.s32 $0x4880  }
0x123: {  	[tilespmem:s3], [sflag:$0x1] =	stream.indirect_vreg.gather [hbm4b:s8+s25], $0x80, v3, vm0, $0xb8;
	[tilespmem:$0x18080] =	vst v63  }
0x124: {  	s5 =	simm.s32 $0x5080  }
0x125: {  	[tilespmem:s5], [sflag:$0x1] =	stream.indirect_vreg.gather [hbm4b:s9+s25], $0x80, v3, vm0, $0xb8;
	[tilespmem:$0x18080] =	vst v63  }
0x126: {  	s15 =	simm.s32 $0x5880  }
0x127: {  	[tilespmem:s15], [sflag:$0x1] =	stream.indirect_vreg.gather [hbm4b:s10+s25], $0x80, v3, vm0, $0xb8;
	[tilespmem:$0x18080] =	vst v63  }
0x128: {  	s17 =	simm.s32 $0x6080  }
0x129: {  	[tilespmem:s17], [sflag:$0x1] =	stream.indirect_vreg.gather [hbm4b:s11+s25], $0x80, v3, vm0, $0xb8;
	[tilespmem:$0x18080] =	vst v63  }
0x12a: {  	s18 =	simm.s32 $0x6880  }
0x12b: {  	[tilespmem:s18], [sflag:$0x1] =	stream.indirect_vreg.gather [hbm4b:s12+s25], $0x80, v3, vm0, $0xb8;
	[tilespmem:$0x18080] =	vst v63  }
0x12c: {  	s3 =	simm.s32 $0x7080  }
0x12d: {  	[tilespmem:s3], [sflag:$0x1] =	stream.indirect_vreg.gather [hbm4b:s13+s25], $0x80, v3, vm0, $0xb8;
	[tilespmem:$0x18080] =	vst v63  }
0x12e: {  	s5 =	simm.s32 $0x7880  }
0x12f: {  	[tilespmem:s5], [sflag:$0x1] =	stream.indirect_vreg.gather [hbm4b:s14+s25], $0x80, v3, vm0, $0xb8;
	[tilespmem:$0x18080] =	vst v63  }
0x130: {  	v3 =	vld.msk [tilespmem:$0x10], $0xff;
	_ =	sdelay $0x4  }
0x131: {  	v4 =	vshll.u32 v3, $0x4  }
0x132: {  	v3 =	vand.u32 $0x7, v3;
	v4 =	vand.u32 $0xFFFFFF80, v4  }
0x133: {  	v3 =	vor.u32 v3, v4  }
0x134: {  	v3 =	vperm.xlane v3, v0;
	_ =	sdelay $0x1  }
0x135: {  	v3 =	vadd.s32 v1, v3;
	_ =	sdelay $0x3  }
0x136: {  	s15 =	simm.s32 $0x8080  }
0x137: {  	[tilespmem:s15], [sflag:$0x1] =	stream.indirect_vreg.gather [hbm4b:s4+s25], $0x80, v3, vm0, $0xb8;
	[tilespmem:$0x18080] =	vst v63  }
0x138: {  	s17 =	simm.s32 $0x8880  }
0x139: {  	[tilespmem:s17], [sflag:$0x1] =	stream.indirect_vreg.gather [hbm4b:s8+s25], $0x80, v3, vm0, $0xb8;
	[tilespmem:$0x18080] =	vst v63  }
0x13a: {  	_ = 	snop  }
0x13b: {  	[tilespmem:s6], [sflag:$0x1] =	stream.indirect_vreg.gather [hbm4b:s9+s25], $0x80, v3, vm0, $0xb8;
	[tilespmem:$0x18080] =	vst v63  }
0x13c: {  	_ = 	snop  }
0x13d: {  	[tilespmem:s2], [sflag:$0x1] =	stream.indirect_vreg.gather [hbm4b:s10+s25], $0x80, v3, vm0, $0xb8;
	[tilespmem:$0x18080] =	vst v63  }
0x13e: {  	_ = 	snop  }
0x13f: {  	[tilespmem:s16], [sflag:$0x1] =	stream.indirect_vreg.gather [hbm4b:s11+s25], $0x80, v3, vm0, $0xb8;
	[tilespmem:$0x18080] =	vst v63  }
0x140: {  	_ = 	snop  }
0x141: {  	[tilespmem:s20], [sflag:$0x1] =	stream.indirect_vreg.gather [hbm4b:s12+s25], $0x80, v3, vm0, $0xb8;
	[tilespmem:$0x18080] =	vst v63  }
0x142: {  	_ = 	snop  }
0x143: {  	[tilespmem:s21], [sflag:$0x1] =	stream.indirect_vreg.gather [hbm4b:s13+s25], $0x80, v3, vm0, $0xb8;
	[tilespmem:$0x18080] =	vst v63  }
0x144: {  	_ = 	snop  }
0x145: {  	[tilespmem:s22], [sflag:$0x1] =	stream.indirect_vreg.gather [hbm4b:s14+s25], $0x80, v3, vm0, $0xb8;
	[tilespmem:$0x18080] =	vst v63  }
0x146: {  	_ =	swait.ge [sflag:s23], $0xC000  }
0x147: {  	s18 =	sand.u32 $0x70, s25;
	[sflag:s23] =	ssyncset.done $0x0  }
0x148: {  	s3 =	simm.s32 $0xC080;
	s5 =	sand.u32 $0x3C00, s25;
	[sflag:s23] =	ssyncadd.s32 $0xFFFF4000  }
0x149: {  	s0 =	sor.u32 s18, s5;
	v3 =	vld [tilespmem:s3+$0x0]  }
0x14a: {  	v4 =	vld [tilespmem:s0+$0x80]  }
0x14b: {  	s15 =	sand.u32 $0x7F0, s25;
	v5 =	vld [tilespmem:s0+$0x100]  }
0x14c: {  	v6 =	vld [tilespmem:s15+$0xC880]  }
0x14d: {  	v7 =	vld [tilespmem:s0+$0x180]  }
0x14e: {  	v8 =	vld [tilespmem:s15+$0xD080]  }
0x14f: {  	v9 =	vld [tilespmem:s0+$0x200]  }
0x150: {  	v10 =	vld [tilespmem:s15+$0xD880]  }
0x151: {  	v3 =	vmul.f32 v3, v4;
	v4 =	vmul.f32 v6, v5;
	v5 =	vld [tilespmem:s0+$0x280]  }
0x152: {  	v6 =	vld [tilespmem:s15+$0xE080]  }
0x153: {  	s17 =	sand.u32 $0x7, s25;
	v46 =	vld [tilespmem:s15+$0xE880];
	v3 =	vadd.f32 v4, v3;
	v4 =	vmul.f32 v8, v7  }
0x154: {  	s5 =	sshll.u32 s17, $0x4;
	v7 =	vld [tilespmem:s0+$0x300]  }
0x155: {  	s5 =	sadd.s32 $0x0, s5;
	v47 =	vld [tilespmem:s0+$0x380];
	v3 =	vadd.f32 v4, v3;
	v4 =	vmul.f32 v10, v9  }
0x156: {  	s5 =	sor.u32 $0x380, s5;
	v48 =	vld [tilespmem:s15+$0xF080]  }
0x157: {  	v3 =	vadd.f32 v4, v3;
	v4 =	vmul.f32 v6, v5;
	v5 =	vld [tilespmem:s5+$0x80]  }
0x158: {  	v6 =	vld [tilespmem:s15+$0xF880]  }
0x159: {  	v49 =	vld [tilespmem:s15+$0x10080];
	v3 =	vadd.f32 v4, v3;
	v4 =	vmul.f32 v46, v7  }
0x15a: {  	v7 =	vld [tilespmem:s0+$0x4080]  }
0x15b: {  	v50 =	vld [tilespmem:s0+$0x4100];
	v3 =	vadd.f32 v4, v3;
	v4 =	vmul.f32 v48, v47  }
0x15c: {  	v51 =	vld [tilespmem:s15+$0x10880]  }
0x15d: {  	v3 =	vadd.f32 v4, v3;
	v4 =	vmul.f32 v6, v5;
	v5 =	vld [tilespmem:s0+$0x4180]  }
0x15e: {  	v6 =	vld [tilespmem:s15+$0x11080]  }
0x15f: {  	v52 =	vld [tilespmem:s15+$0x11880];
	v3 =	vadd.f32 v4, v3;
	v4 =	vmul.f32 v49, v7  }
0x160: {  	v7 =	vld [tilespmem:s0+$0x4200]  }
0x161: {  	v53 =	vld [tilespmem:s0+$0x4280];
	v3 =	vadd.f32 v4, v3;
	v4 =	vmul.f32 v51, v50  }
0x162: {  	v54 =	vld [tilespmem:s15+$0x12080]  }
0x163: {  	v3 =	vadd.f32 v4, v3;
	v4 =	vmul.f32 v6, v5;
	v5 =	vld [tilespmem:s0+$0x4300]  }
0x164: {  	v6 =	vld [tilespmem:s15+$0x12880]  }
0x165: {  	v55 =	vld [tilespmem:s15+$0x13080];
	v3 =	vadd.f32 v4, v3;
	v4 =	vmul.f32 v52, v7  }
0x166: {  	v7 =	vld [tilespmem:s0+$0x4380]  }
0x167: {  	v56 =	vld [tilespmem:s0+$0x4400];
	v3 =	vadd.f32 v4, v3;
	v4 =	vmul.f32 v54, v53  }
0x168: {  	v57 =	vld [tilespmem:s15+$0x13880]  }
0x169: {  	v3 =	vadd.f32 v4, v3;
	v4 =	vmul.f32 v6, v5;
	v5 =	vld [tilespmem:s0+$0x8080]  }
0x16a: {  	v6 =	vld [tilespmem:s15+$0x14080]  }
0x16b: {  	v58 =	vld [tilespmem:s15+$0x14880];
	v3 =	vadd.f32 v4, v3;
	v4 =	vmul.f32 v55, v7  }
0x16c: {  	v7 =	vld [tilespmem:s0+$0x8100]  }
0x16d: {  	v59 =	vld [tilespmem:s0+$0x8180];
	v3 =	vadd.f32 v4, v3;
	v4 =	vmul.f32 v57, v56  }
0x16e: {  	v60 =	vld [tilespmem:s15+$0x15080]  }
0x16f: {  	v3 =	vadd.f32 v4, v3;
	v4 =	vmul.f32 v6, v5;
	v5 =	vld [tilespmem:s0+$0x8200]  }
0x170: {  	v6 =	vld [tilespmem:s15+$0x15880]  }
0x171: {  	v61 =	vld [tilespmem:s15+$0x16080];
	v3 =	vadd.f32 v4, v3;
	v4 =	vmul.f32 v58, v7  }
0x172: {  	v7 =	vld [tilespmem:s0+$0x8280]  }
0x173: {  	v62 =	vld [tilespmem:s0+$0x8300];
	v3 =	vadd.f32 v4, v3;
	v4 =	vmul.f32 v60, v59  }
0x174: {  	v63 =	vld [tilespmem:s15+$0x16880]  }
0x175: {  	v3 =	vadd.f32 v4, v3;
	v4 =	vmul.f32 v6, v5;
	v5 =	vld [tilespmem:s0+$0x8380]  }
0x176: {  	v6 =	vld [tilespmem:s15+$0x17080]  }
0x177: {  	v3 =	vadd.f32 v4, v3;
	v4 =	vmul.f32 v61, v7;
	_ =	sdelay $0x1  }
0x178: {  	v3 =	vadd.f32 v4, v3;
	v4 =	vmul.f32 v63, v62;
	_ =	sdelay $0x1  }
0x179: {  	v3 =	vadd.f32 v4, v3;
	v4 =	vmul.f32 v6, v5;
	_ =	sdelay $0x1  }
0x17a: {  	v3 =	vadd.f32 v4, v3  }
0x17b: {  	s29 =	simm.s32 $0x17880;
	s31 =	simm.s32 $0x80;
	s3 =	simm.s32 $0x10  }
0x17c: {  	s18 =	sand.u32 $0x70, s3;
	s5 =	simm.s32 $0xC090;
	s15 =	sand.u32 $0x3C00, s31;
	[tilespmem:s29+$0x0] =	vst v3  }
0x17d: {  	s30 =	sor.u32 s18, s15;
	v3 =	vld [tilespmem:s5+$0x0]  }
0x17e: {  	s0 =	simm.s32 $0x0;
	s18 =	simm.s32 $0x20;
	v4 =	vld [tilespmem:s30+$0x80]  }
.LBB2_7:
0x17f: {  	p0 =	sne.s32 s18, $0x7F0;
	v5 =	vld [tilespmem:s30+$0x100];
	s15 =	sand.u32 $0x7F0, s3;
	s3 =	smov.u32 s18  }
0x180: {  	v6 =	vld [tilespmem:s15+$0xC880]  }
0x181: {  	v7 =	vld [tilespmem:s30+$0x180]  }
0x182: {  	v8 =	vld [tilespmem:s15+$0xD080]  }
0x183: {  	v9 =	vld [tilespmem:s30+$0x200]  }
0x184: {  	v10 =	vld [tilespmem:s15+$0xD880]  }
0x185: {  	v3 =	vmul.f32 v3, v4;
	v4 =	vmul.f32 v6, v5;
	v5 =	vld [tilespmem:s30+$0x280]  }
0x186: {  	s0 =	sadd.s32 $0x1, s0;
	v6 =	vld [tilespmem:s15+$0xE080]  }
0x187: {  	s17 =	sand.u32 $0x7, s0;
	v3 =	vadd.f32 v4, v3;
	v4 =	vmul.f32 v8, v7;
	v7 =	vld [tilespmem:s30+$0x300]  }
0x188: {  	s17 =	sshll.u32 s17, $0x4;
	v8 =	vld [tilespmem:s15+$0xE880]  }
0x189: {  	s17 =	sadd.s32 s17, s31;
	v3 =	vadd.f32 v4, v3;
	v4 =	vmul.f32 v10, v9;
	v9 =	vld [tilespmem:s30+$0x380]  }
0x18a: {  	s17 =	sor.u32 $0x380, s17;
	v10 =	vld [tilespmem:s15+$0xF080]  }
0x18b: {  	v3 =	vadd.f32 v4, v3;
	v4 =	vmul.f32 v6, v5;
	v5 =	vld [tilespmem:s17+$0x80]  }
0x18c: {  	v6 =	vld [tilespmem:s15+$0xF880]  }
0x18d: {  	v3 =	vadd.f32 v4, v3;
	v4 =	vmul.f32 v8, v7;
	v7 =	vld [tilespmem:s30+$0x4080]  }
0x18e: {  	v8 =	vld [tilespmem:s15+$0x10080]  }
0x18f: {  	v3 =	vadd.f32 v4, v3;
	v4 =	vmul.f32 v10, v9;
	v9 =	vld [tilespmem:s30+$0x4100]  }
0x190: {  	v10 =	vld [tilespmem:s15+$0x10880]  }
0x191: {  	v3 =	vadd.f32 v4, v3;
	v4 =	vmul.f32 v6, v5;
	v5 =	vld [tilespmem:s30+$0x4180]  }
0x192: {  	v6 =	vld [tilespmem:s15+$0x11080]  }
0x193: {  	v3 =	vadd.f32 v4, v3;
	v4 =	vmul.f32 v8, v7;
	v7 =	vld [tilespmem:s30+$0x4200]  }
0x194: {  	v8 =	vld [tilespmem:s15+$0x11880]  }
0x195: {  	v3 =	vadd.f32 v4, v3;
	v4 =	vmul.f32 v10, v9;
	v9 =	vld [tilespmem:s30+$0x4280]  }
0x196: {  	v10 =	vld [tilespmem:s15+$0x12080]  }
0x197: {  	v3 =	vadd.f32 v4, v3;
	v4 =	vmul.f32 v6, v5;
	v5 =	vld [tilespmem:s30+$0x4300]  }
0x198: {  	v6 =	vld [tilespmem:s15+$0x12880]  }
0x199: {  	v3 =	vadd.f32 v4, v3;
	v4 =	vmul.f32 v8, v7;
	v7 =	vld [tilespmem:s30+$0x4380]  }
0x19a: {  	v8 =	vld [tilespmem:s15+$0x13080]  }
0x19b: {  	v3 =	vadd.f32 v4, v3;
	v4 =	vmul.f32 v10, v9;
	v9 =	vld [tilespmem:s30+$0x4400]  }
0x19c: {  	v10 =	vld [tilespmem:s15+$0x13880]  }
0x19d: {  	v3 =	vadd.f32 v4, v3;
	v4 =	vmul.f32 v6, v5;
	v5 =	vld [tilespmem:s30+$0x8080]  }
0x19e: {  	v6 =	vld [tilespmem:s15+$0x14080]  }
0x19f: {  	v3 =	vadd.f32 v4, v3;
	v4 =	vmul.f32 v8, v7;
	v7 =	vld [tilespmem:s30+$0x8100]  }
0x1a0: {  	v8 =	vld [tilespmem:s15+$0x14880]  }
0x1a1: {  	v3 =	vadd.f32 v4, v3;
	v4 =	vmul.f32 v10, v9;
	v9 =	vld [tilespmem:s30+$0x8180]  }
0x1a2: {  	v10 =	vld [tilespmem:s15+$0x15080]  }
0x1a3: {  	v3 =	vadd.f32 v4, v3;
	v4 =	vmul.f32 v6, v5;
	v5 =	vld [tilespmem:s30+$0x8200]  }
0x1a4: {  	v6 =	vld [tilespmem:s15+$0x15880]  }
0x1a5: {  	v3 =	vadd.f32 v4, v3;
	v4 =	vmul.f32 v8, v7;
	v7 =	vld [tilespmem:s30+$0x8280]  }
0x1a6: {  	v8 =	vld [tilespmem:s15+$0x16080]  }
0x1a7: {  	v3 =	vadd.f32 v4, v3;
	v4 =	vmul.f32 v10, v9;
	v9 =	vld [tilespmem:s30+$0x8300]  }
0x1a8: {  	v10 =	vld [tilespmem:s15+$0x16880]  }
0x1a9: {  	v3 =	vadd.f32 v4, v3;
	v4 =	vmul.f32 v6, v5;
	v5 =	vld [tilespmem:s30+$0x8380]  }
0x1aa: {  	v6 =	vld [tilespmem:s15+$0x17080]  }
0x1ab: {  	v3 =	vadd.f32 v4, v3;
	v4 =	vmul.f32 v8, v7;
	_ =	sdelay $0x1  }
0x1ac: {  	v3 =	vadd.f32 v4, v3;
	v4 =	vmul.f32 v10, v9;
	_ =	sdelay $0x1  }
0x1ad: {  	v3 =	vadd.f32 v4, v3;
	v4 =	vmul.f32 v6, v5;
	_ =	sdelay $0x1  }
.Ltmp2:
0x1ae: {  	v3 =	vadd.f32 v4, v3;
	(pc) =	sbr.rel @p0 .LBB2_7-.Ltmp2, $4  }
0x1af: {  	s29 =	sadd.s32 $0x10, s29;
	s31 =	sadd.s32 $0x80, s31  }
0x1b0: {  	s5 =	sadd.s32 $0x10, s5;
	s17 =	sand.u32 $0x3C00, s31;
	s15 =	sand.u32 $0x70, s18;
	[tilespmem:s29+$0x0] =	vst v3  }
0x1b1: {  	s30 =	sor.u32 s15, s17;
	v3 =	vld [tilespmem:s5+$0x0]  }
0x1b2: {  	s18 =	sadd.s32 $0x10, s18;
	v4 =	vld [tilespmem:s30+$0x80]  }
0x1b3: {  	v5 =	vld [tilespmem:s30+$0x100];
	s3 =	sand.u32 $0x7F0, s3  }
0x1b4: {  	v6 =	vld [tilespmem:s3+$0xC880]  }
0x1b5: {  	v7 =	vld [tilespmem:s30+$0x180]  }
0x1b6: {  	v8 =	vld [tilespmem:s3+$0xD080]  }
0x1b7: {  	v9 =	vld [tilespmem:s30+$0x200]  }
0x1b8: {  	v10 =	vld [tilespmem:s3+$0xD880]  }
0x1b9: {  	v57 =	vld [tilespmem:s30+$0x280];
	v3 =	vmul.f32 v3, v4;
	v56 =	vmul.f32 v6, v5  }
0x1ba: {  	v58 =	vld [tilespmem:s3+$0xE080]  }
0x1bb: {  	s0 =	sadd.s32 $0x1, s0;
	v60 =	vld [tilespmem:s30+$0x300];
	v59 =	vmul.f32 v8, v7;
	v3 =	vadd.f32 v56, v3  }
0x1bc: {  	s0 =	sand.u32 $0x7, s0;
	v61 =	vld [tilespmem:s3+$0xE880]  }
0x1bd: {  	v63 =	vld [tilespmem:s30+$0x380];
	s0 =	sshll.u32 s0, $0x4;
	v62 =	vmul.f32 v10, v9;
	v3 =	vadd.f32 v59, v3  }
0x1be: {  	v12 =	vld [tilespmem:s3+$0xF080];
	s0 =	sadd.s32 s0, s31  }
0x1bf: {  	v15 =	vld [tilespmem:s3+$0xF880];
	s0 =	sor.u32 $0x380, s0;
	v13 =	vmul.f32 v58, v57;
	v3 =	vadd.f32 v62, v3  }
0x1c0: {  	v14 =	vld [tilespmem:s0+$0x80]  }
0x1c1: {  	v17 =	vld [tilespmem:s30+$0x4080];
	v16 =	vmul.f32 v61, v60;
	v3 =	vadd.f32 v13, v3  }
0x1c2: {  	v18 =	vld [tilespmem:s3+$0x10080]  }
0x1c3: {  	v20 =	vld [tilespmem:s30+$0x4100];
	v19 =	vmul.f32 v12, v63;
	v3 =	vadd.f32 v16, v3  }
0x1c4: {  	v21 =	vld [tilespmem:s3+$0x10880]  }
0x1c5: {  	v23 =	vld [tilespmem:s30+$0x4180];
	v22 =	vmul.f32 v15, v14;
	v3 =	vadd.f32 v19, v3  }
0x1c6: {  	v24 =	vld [tilespmem:s3+$0x11080]  }
0x1c7: {  	v26 =	vld [tilespmem:s30+$0x4200];
	v25 =	vmul.f32 v18, v17;
	v3 =	vadd.f32 v22, v3  }
0x1c8: {  	v27 =	vld [tilespmem:s3+$0x11880]  }
0x1c9: {  	v29 =	vld [tilespmem:s30+$0x4280];
	v28 =	vmul.f32 v21, v20;
	v3 =	vadd.f32 v25, v3  }
0x1ca: {  	v30 =	vld [tilespmem:s3+$0x12080]  }
0x1cb: {  	v32 =	vld [tilespmem:s30+$0x4300];
	v31 =	vmul.f32 v24, v23;
	v3 =	vadd.f32 v28, v3  }
0x1cc: {  	v33 =	vld [tilespmem:s3+$0x12880]  }
0x1cd: {  	v35 =	vld [tilespmem:s30+$0x4380];
	v34 =	vmul.f32 v27, v26;
	v3 =	vadd.f32 v31, v3  }
0x1ce: {  	v36 =	vld [tilespmem:s3+$0x13080]  }
0x1cf: {  	v38 =	vld [tilespmem:s30+$0x4400];
	v37 =	vmul.f32 v30, v29;
	v3 =	vadd.f32 v34, v3  }
0x1d0: {  	v39 =	vld [tilespmem:s3+$0x13880]  }
0x1d1: {  	v41 =	vld [tilespmem:s30+$0x8080];
	v40 =	vmul.f32 v33, v32;
	v3 =	vadd.f32 v37, v3  }
0x1d2: {  	v42 =	vld [tilespmem:s3+$0x14080]  }
0x1d3: {  	v44 =	vld [tilespmem:s30+$0x8100];
	v43 =	vmul.f32 v36, v35;
	v3 =	vadd.f32 v40, v3  }
0x1d4: {  	v45 =	vld [tilespmem:s3+$0x14880]  }
0x1d5: {  	v47 =	vld [tilespmem:s30+$0x8180];
	v46 =	vmul.f32 v39, v38;
	v3 =	vadd.f32 v43, v3  }
0x1d6: {  	v48 =	vld [tilespmem:s3+$0x15080]  }
0x1d7: {  	v50 =	vld [tilespmem:s30+$0x8200];
	v49 =	vmul.f32 v42, v41;
	v3 =	vadd.f32 v46, v3  }
0x1d8: {  	v51 =	vld [tilespmem:s3+$0x15880]  }
0x1d9: {  	v53 =	vld [tilespmem:s30+$0x8280];
	v52 =	vmul.f32 v45, v44;
	v3 =	vadd.f32 v49, v3  }
0x1da: {  	v54 =	vld [tilespmem:s3+$0x16080]  }
0x1db: {  	v55 =	vmul.f32 v48, v47;
	v57 =	vld [tilespmem:s3+$0x16880];
	v3 =	vadd.f32 v52, v3  }
0x1dc: {  	v56 =	vld [tilespmem:s30+$0x8300]  }
0x1dd: {  	v58 =	vmul.f32 v51, v50;
	v60 =	vld [tilespmem:s3+$0x17080];
	v3 =	vadd.f32 v55, v3  }
0x1de: {  	v59 =	vld [tilespmem:s30+$0x8380]  }
0x1df: {  	v61 =	vmul.f32 v54, v53;
	v3 =	vadd.f32 v58, v3;
	_ =	sdelay $0x1  }
0x1e0: {  	v62 =	vmul.f32 v57, v56;
	v3 =	vadd.f32 v61, v3;
	_ =	sdelay $0x1  }
0x1e1: {  	v63 =	vmul.f32 v60, v59;
	v3 =	vadd.f32 v62, v3;
	_ =	sdelay $0x1  }
0x1e2: {  	s18 =	sadd.s32 $0x10, s29;
	s26 =	sadd.s32 $0x1, s26;
	v3 =	vadd.f32 v63, v3  }
0x1e3: {  	s29 =	sshll.u32 s28, $0x9;
	p0 =	sne.s32 s26, $0x20;
	s30 =	rddreg [dreg:$0x6]  }
.Ltmp3:
0x1e4: {  	s31 =	simm.s32 $0x0;
	s0 =	sadd.s32 s29, s30;
	[tilespmem:s18+$0x0] =	vst v3;
	(pc) =	sbr.rel @p0 .LBB2_6-.Ltmp3, $4  }
0x1e5: {  	[hbm4b:s0+s31] =	stream.linear.scatter [tilespmem:s24], [sflag:$0x2], $0x800, $0x38;
	[tilespmem:$0x18080] =	vst v63  }
0x1e6: {  	_ =	swait.ge [sflag:s19], $0x800  }
0x1e7: {  	[sflag:s19] =	ssyncset.done $0x0  }
0x1e8: {  	s17 =	smov.u32 s1;
	[sflag:s19] =	ssyncadd.s32 $0xFFFFF800  }
0x1e9: {  	s1 =	rddreg [dreg:$0x8]  }
0x1ea: {  	s0 =	rddreg [dreg:$0x7];
	s1 =	sadd.s32 $0x1, s1  }
0x1eb: {  	p0 =	sne.s32 s1, s0  }
.Ltmp4:
0x1ec: {  	_ = 	snop;
	(pc) =	sbr.rel @p0 .LBB2_1-.Ltmp4, $1  }
0x1ed: {  	_ =	sdelay $0x3  }
0x1ee: {  	_ =	sfence.sel $0x180000  }
0x1ef: {  	[bflag:$0x0] =	sbarrier.arrive $0xFFFF  }
0x1f0: {  	_ =	strace $0x90000047  }
0x1f1: {  	s0 =	stileid.u32;
	[bflag:$0x2] =	sbarrier.arrive $0xFFFF  }
0x1f2: {  	p0 =	sne.s32 s0, $0x0;
	s0 =	rddreg [dreg:$0x2]  }
0x1f3: {  	s0 =	sadd.s32 @!p0 $0x100000, s0  }
0x1f4: {  	[sflag:s0] =	ssyncadd.tile.s32 @!p0 $0x1;
	_ =	shalt  }
.Lfunc_end2:
_tile_overlayer_lowered:
.L_overlay_start_2:
0x1f5: {  	(tag) =	ssettag $0x2  }
0x1f6: {  	s0 =	rddreg [dreg:$0x0];
	s2 =	stileid.u32  }
0x1f7: {  	s1 =	rddreg [dreg:$0x1];
	p0 =	sne.s32 s2, $0x0  }
0x1f8: {  	s3 =	rddreg [dreg:$0x2];
	[bflag:$0x3] =	sbarrier.arrive $0xFFFF;
	s2 =	simm.s32 @!p0 $0x1C02  }
0x1f9: {  	[timem:s3], [sflag:s2] =	dma.local @!p0 [hbm:s0], s1  }
0x1fa: {  	s0 =	simm.s32 @!p0 $0x2  }
0x1fb: {  	_ =	swait.ge @!p0 [sflag:s0], s1  }
0x1fc: {  	s1 =	ssub.s32 @!p0 $0x0, s1;
	[sflag:s0] =	ssyncset.done @!p0 $0x0  }
0x1fd: {  	[sflag:s0] =	ssyncadd.s32 @!p0 s1  }
0x1fe: {  	[bflag:$0x3] =	sbarrier.arrive $0xFFFF  }
0x1ff: {  	_ =	shalt  }

</sc_bundles>
